<compile_context>
chip_gen: v7x
topology: tpu7x:2x2x1
jax: 0.10.2.dev20260603
libtpu: 0.0.44.dev20260713+nightly
codegen_flags: <defaults>
</compile_context>

<pallas_src>
import functools

import jax
import jax.numpy as jnp
import numpy as np
from jax import lax
from jax.experimental import pallas as pl
from jax.experimental.pallas import tpu as pltpu
from jax.experimental.pallas import tpu_sc as plsc

_K = 12
_NPOINT = 32
_BN_EPS = 1e-5
_N = 32768
_INT_MAX = np.int32(2**31 - 1)


def _fps_knn_body(xt8_ref, xtl_ref, xsl_ref, idxt_ref, idxs_ref,
                  dist_ref, d_ref):
    b = pl.program_id(0)

    x8 = xt8_ref[0, 0]
    y8 = xt8_ref[0, 1]
    z8 = xt8_ref[0, 2]
    iota8 = (lax.broadcasted_iota(jnp.int32, (8, 4096), 0) * 4096
             + lax.broadcasted_iota(jnp.int32, (8, 4096), 1))
    iota32 = lax.broadcasted_iota(jnp.int32, (_NPOINT, 1), 0)

    dist_ref[...] = jnp.full((8, 4096), 1e10, dtype=jnp.float32)

    def fps_step(i, carry):
        far, cxv, cyv, czv = carry
        sel = iota8 == far
        cx = jnp.sum(jnp.where(sel, x8, 0.0))
        cy = jnp.sum(jnp.where(sel, y8, 0.0))
        cz = jnp.sum(jnp.where(sel, z8, 0.0))
        cxv = jnp.where(iota32 == i, cx, cxv)
        cyv = jnp.where(iota32 == i, cy, cyv)
        czv = jnp.where(iota32 == i, cz, czv)
        dx = x8 - cx
        dy = y8 - cy
        dz = z8 - cz
        d = (dx * dx + dy * dy) + dz * dz
        dist = jnp.minimum(dist_ref[...], d)
        dist_ref[...] = dist
        m = jnp.max(dist)
        far_next = jnp.min(jnp.where(dist == m, iota8, _INT_MAX))
        return far_next, cxv, cyv, czv

    zeros32 = jnp.zeros((_NPOINT, 1), dtype=jnp.float32)
    _, cxv, cyv, czv = lax.fori_loop(
        0, _NPOINT, fps_step, (jnp.int32(0), zeros32, zeros32, zeros32))

    c2 = (cxv * cxv + cyv * cyv) + czv * czv
    bcx = cxv.astype(jnp.bfloat16).astype(jnp.float32)
    bcy = cyv.astype(jnp.bfloat16).astype(jnp.float32)
    bcz = czv.astype(jnp.bfloat16).astype(jnp.float32)
    iota_l = lax.broadcasted_iota(jnp.int32, (_NPOINT, _N), 1)
    row_off = b * _N

    def knn(xl_ref, out_ref):
        xl = xl_ref[0, 0:1, :]
        yl = xl_ref[0, 1:2, :]
        zl = xl_ref[0, 2:3, :]
        n2 = (xl * xl + yl * yl) + zl * zl
        bx = xl.astype(jnp.bfloat16).astype(jnp.float32)
        by = yl.astype(jnp.bfloat16).astype(jnp.float32)
        bz = zl.astype(jnp.bfloat16).astype(jnp.float32)
        dot = (bcx * bx + bcy * by) + bcz * bz
        d_ref[...] = (c2 + n2) - 2.0 * dot
        for j in range(_K):
            dv = d_ref[...]
            m = jnp.min(dv, axis=1, keepdims=True)
            idx = jnp.min(jnp.where(dv == m, iota_l, _INT_MAX),
                          axis=1, keepdims=True)
            out_ref[0, :, j:j + 1] = idx + row_off
            if j + 1 < _K:
                d_ref[...] = jnp.where(iota_l == idx, jnp.inf, dv)

    knn(xtl_ref, idxt_ref)
    knn(xsl_ref, idxs_ref)


def _fps_knn(xt8, xtl, xsl):
    return pl.pallas_call(
        _fps_knn_body,
        grid=(2,),
        in_specs=[
            pl.BlockSpec((1, 3, 8, 4096), lambda b: (b, 0, 0, 0)),
            pl.BlockSpec((1, 3, _N), lambda b: (b, 0, 0)),
            pl.BlockSpec((1, 3, _N), lambda b: (b, 0, 0)),
        ],
        out_specs=[
            pl.BlockSpec((1, _NPOINT, _K), lambda b: (b, 0, 0)),
            pl.BlockSpec((1, _NPOINT, _K), lambda b: (b, 0, 0)),
        ],
        out_shape=[
            jax.ShapeDtypeStruct((2, _NPOINT, _K), jnp.int32),
            jax.ShapeDtypeStruct((2, _NPOINT, _K), jnp.int32),
        ],
        scratch_shapes=[
            pltpu.VMEM((8, 4096), jnp.float32),
            pltpu.VMEM((_NPOINT, _N), jnp.float32),
        ],
    )(xt8, xtl, xsl)


def _sc_gather(ft_flat, fs_flat, idxt_flat, idxs_flat, dt, ds, nrows):
    info = plsc.get_sparse_core_info()
    nw = info.num_cores * info.num_subcores
    per_w = nrows // nw
    mesh = plsc.VectorSubcoreMesh(core_axis_name="c", subcore_axis_name="s")

    @functools.partial(
        pl.kernel,
        out_type=[
            jax.ShapeDtypeStruct((nrows, dt), jnp.float32),
            jax.ShapeDtypeStruct((nrows, ds), jnp.float32),
        ],
        mesh=mesh,
        scratch_types=[
            pltpu.VMEM((per_w,), jnp.int32),
            pltpu.VMEM((per_w, dt), jnp.float32),
            pltpu.VMEM((per_w,), jnp.int32),
            pltpu.VMEM((per_w, ds), jnp.float32),
            pltpu.SemaphoreType.DMA,
            pltpu.SemaphoreType.DMA,
        ],
    )
    def gather_k(ft_hbm, fs_hbm, idxt_hbm, idxs_hbm, outt_hbm, outs_hbm,
                 idxt_v, rowst_v, idxs_v, rowss_v, semt, sems):
        wid = lax.axis_index("s") * info.num_cores + lax.axis_index("c")
        base = wid * per_w
        pltpu.sync_copy(idxt_hbm.at[pl.ds(base, per_w)], idxt_v)
        pltpu.sync_copy(idxs_hbm.at[pl.ds(base, per_w)], idxs_v)
        cpt = pltpu.async_copy(ft_hbm.at[idxt_v], rowst_v, semt)
        cps = pltpu.async_copy(fs_hbm.at[idxs_v], rowss_v, sems)
        cpt.wait()
        cps.wait()
        pltpu.sync_copy(rowst_v, outt_hbm.at[pl.ds(base, per_w)])
        pltpu.sync_copy(rowss_v, outs_hbm.at[pl.ds(base, per_w)])

    return gather_k(ft_flat, fs_flat, idxt_flat, idxs_flat)


def _conv_pool_body(gt_ref, gs_ref, wt_ref, ws_ref, kt1_ref, kt2_ref,
                    ks1_ref, ks2_ref, outt_ref, outs_ref):
    def one(g_ref, w_ref, k1_ref, k2_ref, out_ref):
        g = g_ref[...].astype(jnp.bfloat16)
        w = w_ref[...]
        y = lax.dot_general(g, w, (((1,), (1,)), ((), ())),
                            preferred_element_type=jnp.float32)
        y = y * k1_ref[...] + k2_ref[...]
        y = jnp.maximum(y, 0.0)
        acc = y[0:64]
        for j in range(1, _K):
            acc = jnp.maximum(acc, y[j * 64:(j + 1) * 64])
        out_ref[...] = acc

    one(gt_ref, wt_ref, kt1_ref, kt2_ref, outt_ref)
    one(gs_ref, ws_ref, ks1_ref, ks2_ref, outs_ref)


def _conv_pool(gt, gs, wt_bf, ws_bf, kt1, kt2, ks1, ks2):
    n_out = 64
    return pl.pallas_call(
        _conv_pool_body,
        out_shape=[
            jax.ShapeDtypeStruct((n_out, wt_bf.shape[0]), jnp.float32),
            jax.ShapeDtypeStruct((n_out, ws_bf.shape[0]), jnp.float32),
        ],
    )(gt, gs, wt_bf, ws_bf, kt1, kt2, ks1, ks2)


def kernel(feature_s, xyz_s, feature_t, xyz_t,
           W_s, b_s, gamma_s, beta_s, rmean_s, rvar_s,
           W_t, b_t, gamma_t, beta_t, rmean_t, rvar_t):
    B, N, _ = xyz_t.shape
    nrows = B * _NPOINT * _K

    xt = jnp.transpose(xyz_t, (0, 2, 1))
    xs = jnp.transpose(xyz_s, (0, 2, 1))
    xt8 = xt.reshape(B, 3, 8, N // 8)

    idx_t, idx_s = _fps_knn(xt8, xt, xs)

    idxt_flat = jnp.transpose(idx_t, (2, 0, 1)).reshape(nrows)
    idxs_flat = jnp.transpose(idx_s, (2, 0, 1)).reshape(nrows)

    dt = feature_t.shape[-1]
    ds = feature_s.shape[-1]
    gt, gs = _sc_gather(feature_t.reshape(B * N, dt),
                        feature_s.reshape(B * N, ds),
                        idxt_flat, idxs_flat, dt, ds, nrows)

    inv_t = 1.0 / jnp.sqrt(rvar_t + _BN_EPS)
    inv_s = 1.0 / jnp.sqrt(rvar_s + _BN_EPS)
    kt1 = (gamma_t * inv_t)[None, :]
    kt2 = ((b_t - rmean_t) * gamma_t * inv_t + beta_t)[None, :]
    ks1 = (gamma_s * inv_s)[None, :]
    ks2 = ((b_s - rmean_s) * gamma_s * inv_s + beta_s)[None, :]

    out_t, out_s = _conv_pool(gt, gs,
                              W_t.astype(jnp.bfloat16),
                              W_s.astype(jnp.bfloat16),
                              kt1, kt2, ks1, ks2)

    d_out = W_s.shape[0]
    return (out_s.reshape(B, _NPOINT, d_out), out_t.reshape(B, _NPOINT, d_out))

# --- scband reference (transcript-rebuilt; emitter-appended) ---
"""Pipeline reference for scband-relation-cos-72292889527116 (READ-ONLY COPY).

The authoritative reference and input builder live on the scoring server;
editing this copy changes nothing except your own understanding.
"""

import jax, jax.numpy as jnp
import numpy as np

K = 12
SAMPLE_POINT = 32
BN_EPS = 1e-5


def index_points(points, idx):
    # points: [B, N, D]; idx: [B, S] or [B, S, k] -> gathered points
    return jax.vmap(lambda p, i: p[i])(points, idx)


def farthest_point_sample(xyz, npoint):
    # Deterministic FPS starting at index 0 (matches pointnet2 CUDA kernel).
    B, N, _ = xyz.shape

    def body(i, state):
        centroids, distance, farthest = state
        centroids = centroids.at[:, i].set(farthest)
        centroid = jax.vmap(lambda p, j: p[j])(xyz, farthest)[:, None, :]
        d = jnp.sum((xyz - centroid) ** 2, axis=-1)
        distance = jnp.minimum(distance, d)
        farthest = jnp.argmax(distance, axis=-1).astype(jnp.int32)
        return (centroids, distance, farthest)

    init = (jnp.zeros((B, npoint), dtype=jnp.int32),
            jnp.full((B, N), 1e10, dtype=xyz.dtype),
            jnp.zeros((B,), dtype=jnp.int32))
    centroids, _, _ = jax.lax.fori_loop(0, npoint, body, init)
    return centroids


def square_distance(src, dst):
    # src: [B, S, 3], dst: [B, N, 3] -> [B, S, N] squared distances
    return (jnp.sum(src ** 2, axis=-1)[:, :, None]
            + jnp.sum(dst ** 2, axis=-1)[:, None, :]
            - 2.0 * jnp.einsum('bsd,bnd->bsn', src, dst))


def knn_point(k, xyz, new_xyz):
    d = square_distance(new_xyz, xyz)
    _, idx = jax.lax.top_k(-d, k)
    return idx


def graph_operation(grouped, W, b, gamma, beta, rmean, rvar):
    # grouped: [B, n, s, d] -> permute, Conv1d(kernel=1) + BN(eval) + ReLU + adaptive_max_pool1d(1)
    B, n, s, d = grouped.shape
    x = jnp.transpose(grouped, (0, 1, 3, 2)).reshape(B * n, d, s)
    x = jnp.einsum('od,bds->bos', W, x) + b[None, :, None]
    x = (x - rmean[None, :, None]) / jnp.sqrt(rvar[None, :, None] + BN_EPS)
    x = x * gamma[None, :, None] + beta[None, :, None]
    x = jax.nn.relu(x)
    x = jnp.max(x, axis=-1)
    return x.reshape(B, n, -1)


def setup_inputs(seed: int = 0):
    key = jax.random.key(seed)
    ks = jax.random.split(key, 8)
    B, Ns, Nt = 2, 32768, 32768
    d_s_in, d_s_out = 256, 1024
    d_t_in, d_t_out = 1024, 1024
    inp = {}
    inp['feature_s'] = jax.random.normal(ks[0], (B, Ns, d_s_in), dtype=jnp.float32)
    inp['xyz_s'] = jax.random.uniform(ks[1], (B, Ns, 3), dtype=jnp.float32)
    inp['feature_t'] = jax.random.normal(ks[2], (B, Nt, d_t_in), dtype=jnp.float32)
    inp['xyz_t'] = jax.random.uniform(ks[3], (B, Nt, 3), dtype=jnp.float32)
    inp['W_s'] = jax.random.normal(ks[4], (d_s_out, d_s_in), dtype=jnp.float32) * (1.0 / np.sqrt(d_s_in))
    inp['b_s'] = jnp.zeros((d_s_out,), dtype=jnp.float32)
    inp['gamma_s'] = jnp.ones((d_s_out,), dtype=jnp.float32)
    inp['beta_s'] = jnp.zeros((d_s_out,), dtype=jnp.float32)
    inp['rmean_s'] = jnp.zeros((d_s_out,), dtype=jnp.float32)
    inp['rvar_s'] = jnp.ones((d_s_out,), dtype=jnp.float32)
    inp['W_t'] = jax.random.normal(ks[5], (d_t_out, d_t_in), dtype=jnp.float32) * (1.0 / np.sqrt(d_t_in))
    inp['b_t'] = jnp.zeros((d_t_out,), dtype=jnp.float32)
    inp['gamma_t'] = jnp.ones((d_t_out,), dtype=jnp.float32)
    inp['beta_t'] = jnp.zeros((d_t_out,), dtype=jnp.float32)
    inp['rmean_t'] = jnp.zeros((d_t_out,), dtype=jnp.float32)
    inp['rvar_t'] = jnp.ones((d_t_out,), dtype=jnp.float32)
    return inp


def reference(feature_s, xyz_s, feature_t, xyz_t,
              W_s, b_s, gamma_s, beta_s, rmean_s, rvar_s,
              W_t, b_t, gamma_t, beta_t, rmean_t, rvar_t):
    fps_idx_t = farthest_point_sample(xyz_t, SAMPLE_POINT)
    new_xyz_t = index_points(xyz_t, fps_idx_t)
    idx_t = knn_point(K, xyz_t, new_xyz_t)
    grouped_points_t = index_points(feature_t, idx_t)
    idx_s = knn_point(K, xyz_s, new_xyz_t)
    grouped_points_s = index_points(feature_s, idx_s)
    out_point_s = graph_operation(grouped_points_s, W_s, b_s, gamma_s, beta_s, rmean_s, rvar_s)
    out_point_t = graph_operation(grouped_points_t, W_t, b_t, gamma_t, beta_t, rmean_t, rvar_t)
    return (out_point_s, out_point_t)

if __name__ == "__main__":
    import jax
    _d = setup_inputs()
    print(jax.jit(kernel)(*tuple(_d.values())))

</pallas_src>

<mosaic_0001>
#map = affine_map<(d0, d1) -> (0, 0)>
#map1 = affine_map<(d0, d1) -> (0)>
module attributes {stable_mosaic.version = 14 : i64} {
  func.func @gather_k(%arg0: i32, %arg1: i32, %arg2: memref<65536x1024xf32, #tpu.memory_space<hbm>>, %arg3: memref<65536x256xf32, #tpu.memory_space<hbm>>, %arg4: memref<768xi32, #tpu.memory_space<hbm>>, %arg5: memref<768xi32, #tpu.memory_space<hbm>>, %arg6: memref<768x1024xf32, #tpu.memory_space<hbm>>, %arg7: memref<768x256xf32, #tpu.memory_space<hbm>>, %arg8: memref<24xi32, #tpu.memory_space<vmem>>, %arg9: memref<24x1024xf32, #tpu.memory_space<vmem>>, %arg10: memref<24xi32, #tpu.memory_space<vmem>>, %arg11: memref<24x256xf32, #tpu.memory_space<vmem>>, %arg12: memref<!tpu.dma_semaphore, #tpu.memory_space<semaphore_mem>>, %arg13: memref<!tpu.dma_semaphore, #tpu.memory_space<semaphore_mem>>) attributes {dimension_semantics = [#tpu.dimension_semantics<core_parallel>, #tpu.dimension_semantics<subcore_parallel>], iteration_bounds = array<i64: 2, 16>, scalar_prefetch = 0 : i64, scratch_operands = 6 : i64, tpu.core_type = #tpu.core_type<sc_vector_subcore>, window_params = [{transform_indices = #map}, {transform_indices = #map}, {transform_indices = #map1}, {transform_indices = #map1}, {transform_indices = #map}, {transform_indices = #map}]} {
    %mul3A = arith.constant 2 : i32
    %mul3A_0 = arith.muli %arg1, %mul3A : i32
    %add3A = arith.addi %mul3A_0, %arg0 : i32
    %mul3A_1 = arith.constant 24 : i32
    %mul3A_2 = arith.muli %add3A, %mul3A_1 : i32
    "tpu.region"() ({
      %run_scoped3A = tpu.sem_alloc : memref<!tpu.dma_semaphore, #tpu.memory_space<semaphore_mem>>
      %dma_start3A_13 = tpu.memref_slice %arg4[%mul3A_2] : memref<768xi32, #tpu.memory_space<hbm>> -> memref<24xi32, #tpu.memory_space<hbm>>
      %dma_start3A_14 = tpu.memref_slice %arg4[%mul3A_2] : memref<768xi32, #tpu.memory_space<hbm>> -> memref<24xi32, #tpu.memory_space<hbm>>
      tpu.enqueue_dma source(%dma_start3A_14 : memref<24xi32, #tpu.memory_space<hbm>>) target(%arg8 : memref<24xi32, #tpu.memory_space<vmem>>) target_semaphore(%run_scoped3A : memref<!tpu.dma_semaphore, #tpu.memory_space<semaphore_mem>>)
      %dma_wait3A_15 = tpu.memref_slice %arg4[%mul3A_2] : memref<768xi32, #tpu.memory_space<hbm>> -> memref<24xi32, #tpu.memory_space<hbm>>
      %dma_wait3A_16 = tpu.memref_slice %arg4[%mul3A_2] : memref<768xi32, #tpu.memory_space<hbm>> -> memref<24xi32, #tpu.memory_space<hbm>>
      tpu.wait_dma2 semaphore(%run_scoped3A : memref<!tpu.dma_semaphore, #tpu.memory_space<semaphore_mem>>) src(%dma_wait3A_16 : memref<24xi32, #tpu.memory_space<hbm>>) dst(%arg8 : memref<24xi32, #tpu.memory_space<vmem>>)
      tpu.yield
    }) : () -> ()
    "tpu.region"() ({
      %run_scoped3A = tpu.sem_alloc : memref<!tpu.dma_semaphore, #tpu.memory_space<semaphore_mem>>
      %dma_start3A_13 = tpu.memref_slice %arg5[%mul3A_2] : memref<768xi32, #tpu.memory_space<hbm>> -> memref<24xi32, #tpu.memory_space<hbm>>
      %dma_start3A_14 = tpu.memref_slice %arg5[%mul3A_2] : memref<768xi32, #tpu.memory_space<hbm>> -> memref<24xi32, #tpu.memory_space<hbm>>
      tpu.enqueue_dma source(%dma_start3A_14 : memref<24xi32, #tpu.memory_space<hbm>>) target(%arg10 : memref<24xi32, #tpu.memory_space<vmem>>) target_semaphore(%run_scoped3A : memref<!tpu.dma_semaphore, #tpu.memory_space<semaphore_mem>>)
      %dma_wait3A_15 = tpu.memref_slice %arg5[%mul3A_2] : memref<768xi32, #tpu.memory_space<hbm>> -> memref<24xi32, #tpu.memory_space<hbm>>
      %dma_wait3A_16 = tpu.memref_slice %arg5[%mul3A_2] : memref<768xi32, #tpu.memory_space<hbm>> -> memref<24xi32, #tpu.memory_space<hbm>>
      tpu.wait_dma2 semaphore(%run_scoped3A : memref<!tpu.dma_semaphore, #tpu.memory_space<semaphore_mem>>) src(%dma_wait3A_16 : memref<24xi32, #tpu.memory_space<hbm>>) dst(%arg10 : memref<24xi32, #tpu.memory_space<vmem>>)
      tpu.yield
    }) : () -> ()
    %dma_start3A = arith.constant 0 : i32
    %dma_start3A_3 = arith.constant 0 : i32
    %dma_start3A_4 = tpu.memref_slice %arg2[%dma_start3A, %dma_start3A_3] : memref<65536x1024xf32, #tpu.memory_space<hbm>> -> memref<65536x1024xf32, #tpu.memory_space<hbm>>
    tpu.enqueue_indirect_dma source(%dma_start3A_4 : memref<65536x1024xf32, #tpu.memory_space<hbm>>) target(%arg9 : memref<24x1024xf32, #tpu.memory_space<vmem>>) offsets(%arg8 : memref<24xi32, #tpu.memory_space<vmem>>) semaphore(%arg12 : memref<!tpu.dma_semaphore, #tpu.memory_space<semaphore_mem>>)
    %dma_start3A_5 = arith.constant 0 : i32
    %dma_start3A_6 = arith.constant 0 : i32
    %dma_start3A_7 = tpu.memref_slice %arg3[%dma_start3A_5, %dma_start3A_6] : memref<65536x256xf32, #tpu.memory_space<hbm>> -> memref<65536x256xf32, #tpu.memory_space<hbm>>
    tpu.enqueue_indirect_dma source(%dma_start3A_7 : memref<65536x256xf32, #tpu.memory_space<hbm>>) target(%arg11 : memref<24x256xf32, #tpu.memory_space<vmem>>) offsets(%arg10 : memref<24xi32, #tpu.memory_space<vmem>>) semaphore(%arg13 : memref<!tpu.dma_semaphore, #tpu.memory_space<semaphore_mem>>)
    %dma_wait3A = arith.constant 0 : i32
    %dma_wait3A_8 = arith.constant 0 : i32
    %dma_wait3A_9 = tpu.memref_slice %arg2[%dma_wait3A, %dma_wait3A_8] : memref<65536x1024xf32, #tpu.memory_space<hbm>> -> memref<65536x1024xf32, #tpu.memory_space<hbm>>
    tpu.wait_indirect_dma semaphore(%arg12 : memref<!tpu.dma_semaphore, #tpu.memory_space<semaphore_mem>>) src(%dma_wait3A_9 : memref<65536x1024xf32, #tpu.memory_space<hbm>>) dst(%arg9 : memref<24x1024xf32, #tpu.memory_space<vmem>>)
    %dma_wait3A_10 = arith.constant 0 : i32
    %dma_wait3A_11 = arith.constant 0 : i32
    %dma_wait3A_12 = tpu.memref_slice %arg3[%dma_wait3A_10, %dma_wait3A_11] : memref<65536x256xf32, #tpu.memory_space<hbm>> -> memref<65536x256xf32, #tpu.memory_space<hbm>>
    tpu.wait_indirect_dma semaphore(%arg13 : memref<!tpu.dma_semaphore, #tpu.memory_space<semaphore_mem>>) src(%dma_wait3A_12 : memref<65536x256xf32, #tpu.memory_space<hbm>>) dst(%arg11 : memref<24x256xf32, #tpu.memory_space<vmem>>)
    "tpu.region"() ({
      %run_scoped3A = tpu.sem_alloc : memref<!tpu.dma_semaphore, #tpu.memory_space<semaphore_mem>>
      %dma_start3A_13 = arith.constant 0 : i32
      %dma_start3A_14 = tpu.memref_slice %arg6[%mul3A_2, %dma_start3A_13] : memref<768x1024xf32, #tpu.memory_space<hbm>> -> memref<24x1024xf32, #tpu.memory_space<hbm>>
      %dma_start3A_15 = arith.constant 0 : i32
      %dma_start3A_16 = tpu.memref_slice %arg6[%mul3A_2, %dma_start3A_15] : memref<768x1024xf32, #tpu.memory_space<hbm>> -> memref<24x1024xf32, #tpu.memory_space<hbm>>
      tpu.enqueue_dma source(%arg9 : memref<24x1024xf32, #tpu.memory_space<vmem>>) target(%dma_start3A_16 : memref<24x1024xf32, #tpu.memory_space<hbm>>) target_semaphore(%run_scoped3A : memref<!tpu.dma_semaphore, #tpu.memory_space<semaphore_mem>>)
      %dma_wait3A_17 = arith.constant 0 : i32
      %dma_wait3A_18 = tpu.memref_slice %arg6[%mul3A_2, %dma_wait3A_17] : memref<768x1024xf32, #tpu.memory_space<hbm>> -> memref<24x1024xf32, #tpu.memory_space<hbm>>
      %dma_wait3A_19 = arith.constant 0 : i32
      %dma_wait3A_20 = tpu.memref_slice %arg6[%mul3A_2, %dma_wait3A_19] : memref<768x1024xf32, #tpu.memory_space<hbm>> -> memref<24x1024xf32, #tpu.memory_space<hbm>>
      tpu.wait_dma2 semaphore(%run_scoped3A : memref<!tpu.dma_semaphore, #tpu.memory_space<semaphore_mem>>) src(%arg9 : memref<24x1024xf32, #tpu.memory_space<vmem>>) dst(%dma_wait3A_20 : memref<24x1024xf32, #tpu.memory_space<hbm>>)
      tpu.yield
    }) : () -> ()
    "tpu.region"() ({
      %run_scoped3A = tpu.sem_alloc : memref<!tpu.dma_semaphore, #tpu.memory_space<semaphore_mem>>
      %dma_start3A_13 = arith.constant 0 : i32
      %dma_start3A_14 = tpu.memref_slice %arg7[%mul3A_2, %dma_start3A_13] : memref<768x256xf32, #tpu.memory_space<hbm>> -> memref<24x256xf32, #tpu.memory_space<hbm>>
      %dma_start3A_15 = arith.constant 0 : i32
      %dma_start3A_16 = tpu.memref_slice %arg7[%mul3A_2, %dma_start3A_15] : memref<768x256xf32, #tpu.memory_space<hbm>> -> memref<24x256xf32, #tpu.memory_space<hbm>>
      tpu.enqueue_dma source(%arg11 : memref<24x256xf32, #tpu.memory_space<vmem>>) target(%dma_start3A_16 : memref<24x256xf32, #tpu.memory_space<hbm>>) target_semaphore(%run_scoped3A : memref<!tpu.dma_semaphore, #tpu.memory_space<semaphore_mem>>)
      %dma_wait3A_17 = arith.constant 0 : i32
      %dma_wait3A_18 = tpu.memref_slice %arg7[%mul3A_2, %dma_wait3A_17] : memref<768x256xf32, #tpu.memory_space<hbm>> -> memref<24x256xf32, #tpu.memory_space<hbm>>
      %dma_wait3A_19 = arith.constant 0 : i32
      %dma_wait3A_20 = tpu.memref_slice %arg7[%mul3A_2, %dma_wait3A_19] : memref<768x256xf32, #tpu.memory_space<hbm>> -> memref<24x256xf32, #tpu.memory_space<hbm>>
      tpu.wait_dma2 semaphore(%run_scoped3A : memref<!tpu.dma_semaphore, #tpu.memory_space<semaphore_mem>>) src(%arg11 : memref<24x256xf32, #tpu.memory_space<vmem>>) dst(%dma_wait3A_20 : memref<24x256xf32, #tpu.memory_space<hbm>>)
      tpu.yield
    }) : () -> ()
    return
  }
}

module attributes {stable_mosaic.version = 14 : i64} {
  func.func @_fps_knn_body(%arg0: i32, %arg1: memref<1x3x8x4096xf32, #tpu.memory_space<vmem>>, %arg2: memref<1x3x32768xf32, #tpu.memory_space<vmem>>, %arg3: memref<1x3x32768xf32, #tpu.memory_space<vmem>>, %arg4: memref<1x32x12xi32, #tpu.memory_space<vmem>>, %arg5: memref<1x32x12xi32, #tpu.memory_space<vmem>>, %arg6: memref<8x4096xf32, #tpu.memory_space<vmem>>, %arg7: memref<32x32768xf32, #tpu.memory_space<vmem>>) attributes {dimension_semantics = [#tpu.dimension_semantics<arbitrary>], iteration_bounds = array<i64: 2>, scalar_prefetch = 0 : i64, scratch_operands = 2 : i64, tpu.core_type = #tpu.core_type<tc>, window_params = [{transform_indices = @transform_0, window_bounds = array<i64: 1, 3, 8, 4096>}, {transform_indices = @transform_1, window_bounds = array<i64: 1, 3, 32768>}, {transform_indices = @transform_2, window_bounds = array<i64: 1, 3, 32768>}, {transform_indices = @transform_3, window_bounds = array<i64: 1, 32, 12>}, {transform_indices = @transform_4, window_bounds = array<i64: 1, 32, 12>}]} {
    %get3A = arith.constant 0 : index
    %get3A_0 = arith.constant 0 : index
    %get3A_1 = arith.constant 0 : index
    %get3A_2 = arith.constant 0 : index
    %get3A_3 = vector.load %arg1[%get3A, %get3A_0, %get3A_1, %get3A_2] : memref<1x3x8x4096xf32, #tpu.memory_space<vmem>>, vector<1x1x8x4096xf32>
    %get3A_4 = vector.shape_cast %get3A_3 : vector<1x1x8x4096xf32> to vector<8x4096xf32>
    %get3A_5 = arith.constant 0 : index
    %get3A_6 = arith.constant 1 : index
    %get3A_7 = arith.constant 0 : index
    %get3A_8 = arith.constant 0 : index
    %get3A_9 = vector.load %arg1[%get3A_5, %get3A_6, %get3A_7, %get3A_8] : memref<1x3x8x4096xf32, #tpu.memory_space<vmem>>, vector<1x1x8x4096xf32>
    %get3A_10 = vector.shape_cast %get3A_9 : vector<1x1x8x4096xf32> to vector<8x4096xf32>
    %get3A_11 = arith.constant 0 : index
    %get3A_12 = arith.constant 2 : index
    %get3A_13 = arith.constant 0 : index
    %get3A_14 = arith.constant 0 : index
    %get3A_15 = vector.load %arg1[%get3A_11, %get3A_12, %get3A_13, %get3A_14] : memref<1x3x8x4096xf32, #tpu.memory_space<vmem>>, vector<1x1x8x4096xf32>
    %get3A_16 = vector.shape_cast %get3A_15 : vector<1x1x8x4096xf32> to vector<8x4096xf32>
    %iota3A = tpu.iota {dimensions = array<i32: 0>} : vector<8x4096xi32>
    %mul3A = arith.constant 4096 : i32
    %mul3A_17 = vector.broadcast %mul3A : i32 to vector<8x4096xi32>
    %mul3A_18 = arith.muli %iota3A, %mul3A_17 : vector<8x4096xi32>
    %iota3A_19 = tpu.iota {dimensions = array<i32: 1>} : vector<8x4096xi32>
    %add3A = arith.addi %mul3A_18, %iota3A_19 : vector<8x4096xi32>
    %iota3A_20 = tpu.iota {dimensions = array<i32: 0>} : vector<32x1xi32>
    %broadcast_in_dim3A = arith.constant 1.000000e+10 : f32
    %broadcast_in_dim3A_21 = vector.broadcast %broadcast_in_dim3A : f32 to vector<8x4096xf32>
    %swap3A = arith.constant 0 : index
    %swap3A_22 = arith.constant 0 : index
    %swap3A_23 = vector.load %arg6[%swap3A, %swap3A_22] : memref<8x4096xf32, #tpu.memory_space<vmem>>, vector<8x4096xf32>
    tpu.vector_store %arg6[%swap3A, %swap3A_22], %broadcast_in_dim3A_21 {strides = array<i32>} : memref<8x4096xf32, #tpu.memory_space<vmem>>, vector<8x4096xf32>,
    %broadcast_in_dim3A_24 = arith.constant 0.000000e+00 : f32
    %broadcast_in_dim3A_25 = vector.broadcast %broadcast_in_dim3A_24 : f32 to vector<32x1xf32>
    %scan3A = arith.constant 0 : i32
    %scan3A_26 = arith.constant 0 : i32
    %scan3A_27 = arith.constant 32 : i32
    %scan3A_28 = arith.addi %scan3A_26, %scan3A_27 : i32
    %scan3A_29 = arith.constant 1 : i32
    %scan3A_30:4 = scf.for %scan3A_838 = %scan3A_26 to %scan3A_28 step %scan3A_29 iter_args(%scan3A_839 = %scan3A, %scan3A_840 = %broadcast_in_dim3A_25, %scan3A_841 = %broadcast_in_dim3A_25, %scan3A_842 = %broadcast_in_dim3A_25) -> (i32, vector<32x1xf32>, vector<32x1xf32>, vector<32x1xf32>)  : i32 {
      %eq3A_843 = vector.broadcast %scan3A_839 : i32 to vector<8x4096xi32>
      %eq3A_844 = arith.cmpi eq, %add3A, %eq3A_843 : vector<8x4096xi32>
      %jit3A_845 = arith.constant 0.000000e+00 : f32
      %broadcast_in_dim3A_846 = vector.broadcast %jit3A_845 : f32 to vector<8x4096xf32>
      %select_n3A_847 = arith.select %eq3A_844, %get3A_4, %broadcast_in_dim3A_846 : vector<8x4096xi1>, vector<8x4096xf32>
      %reduce_sum3A = vector.shape_cast %select_n3A_847 : vector<8x4096xf32> to vector<1x8x4096xf32>
      %reduce_sum3A_848 = arith.constant dense<0.000000e+00> : vector<1xf32>
      %reduce_sum3A_849 = vector.multi_reduction <add>, %reduce_sum3A, %reduce_sum3A_848 [1, 2] : vector<1x8x4096xf32> to vector<1xf32>
      %reduce_sum3A_850 = vector.shape_cast %reduce_sum3A_849 : vector<1xf32> to vector<1x1x1xf32>
      %reduce_sum3A_851 = vector.extract %reduce_sum3A_850[0, 0, 0] : f32 from vector<1x1x1xf32>
      %jit3A_852 = arith.constant 0.000000e+00 : f32
      %broadcast_in_dim3A_853 = vector.broadcast %jit3A_852 : f32 to vector<8x4096xf32>
      %select_n3A_854 = arith.select %eq3A_844, %get3A_10, %broadcast_in_dim3A_853 : vector<8x4096xi1>, vector<8x4096xf32>
      %reduce_sum3A_855 = vector.shape_cast %select_n3A_854 : vector<8x4096xf32> to vector<1x8x4096xf32>
      %reduce_sum3A_856 = arith.constant dense<0.000000e+00> : vector<1xf32>
      %reduce_sum3A_857 = vector.multi_reduction <add>, %reduce_sum3A_855, %reduce_sum3A_856 [1, 2] : vector<1x8x4096xf32> to vector<1xf32>
      %reduce_sum3A_858 = vector.shape_cast %reduce_sum3A_857 : vector<1xf32> to vector<1x1x1xf32>
      %reduce_sum3A_859 = vector.extract %reduce_sum3A_858[0, 0, 0] : f32 from vector<1x1x1xf32>
      %jit3A_860 = arith.constant 0.000000e+00 : f32
      %broadcast_in_dim3A_861 = vector.broadcast %jit3A_860 : f32 to vector<8x4096xf32>
      %select_n3A_862 = arith.select %eq3A_844, %get3A_16, %broadcast_in_dim3A_861 : vector<8x4096xi1>, vector<8x4096xf32>
      %reduce_sum3A_863 = vector.shape_cast %select_n3A_862 : vector<8x4096xf32> to vector<1x8x4096xf32>
      %reduce_sum3A_864 = arith.constant dense<0.000000e+00> : vector<1xf32>
      %reduce_sum3A_865 = vector.multi_reduction <add>, %reduce_sum3A_863, %reduce_sum3A_864 [1, 2] : vector<1x8x4096xf32> to vector<1xf32>
      %reduce_sum3A_866 = vector.shape_cast %reduce_sum3A_865 : vector<1xf32> to vector<1x1x1xf32>
      %reduce_sum3A_867 = vector.extract %reduce_sum3A_866[0, 0, 0] : f32 from vector<1x1x1xf32>
      %eq3A_868 = vector.broadcast %scan3A_838 : i32 to vector<32x1xi32>
      %eq3A_869 = arith.cmpi eq, %iota3A_20, %eq3A_868 : vector<32x1xi32>
      %broadcast_in_dim3A_870 = vector.broadcast %reduce_sum3A_851 : f32 to vector<32x1xf32>
      %select_n3A_871 = arith.select %eq3A_869, %broadcast_in_dim3A_870, %scan3A_840 : vector<32x1xi1>, vector<32x1xf32>
      %eq3A_872 = vector.broadcast %scan3A_838 : i32 to vector<32x1xi32>
      %eq3A_873 = arith.cmpi eq, %iota3A_20, %eq3A_872 : vector<32x1xi32>
      %broadcast_in_dim3A_874 = vector.broadcast %reduce_sum3A_859 : f32 to vector<32x1xf32>
      %select_n3A_875 = arith.select %eq3A_873, %broadcast_in_dim3A_874, %scan3A_841 : vector<32x1xi1>, vector<32x1xf32>
      %eq3A_876 = vector.broadcast %scan3A_838 : i32 to vector<32x1xi32>
      %eq3A_877 = arith.cmpi eq, %iota3A_20, %eq3A_876 : vector<32x1xi32>
      %broadcast_in_dim3A_878 = vector.broadcast %reduce_sum3A_867 : f32 to vector<32x1xf32>
      %select_n3A_879 = arith.select %eq3A_877, %broadcast_in_dim3A_878, %scan3A_842 : vector<32x1xi1>, vector<32x1xf32>
      %sub3A_880 = vector.broadcast %reduce_sum3A_851 : f32 to vector<8x4096xf32>
      %sub3A_881 = arith.subf %get3A_4, %sub3A_880 : vector<8x4096xf32>
      %sub3A_882 = vector.broadcast %reduce_sum3A_859 : f32 to vector<8x4096xf32>
      %sub3A_883 = arith.subf %get3A_10, %sub3A_882 : vector<8x4096xf32>
      %sub3A_884 = vector.broadcast %reduce_sum3A_867 : f32 to vector<8x4096xf32>
      %sub3A_885 = arith.subf %get3A_16, %sub3A_884 : vector<8x4096xf32>
      %mul3A_886 = arith.mulf %sub3A_881, %sub3A_881 : vector<8x4096xf32>
      %mul3A_887 = arith.mulf %sub3A_883, %sub3A_883 : vector<8x4096xf32>
      %add3A_888 = arith.addf %mul3A_886, %mul3A_887 : vector<8x4096xf32>
      %mul3A_889 = arith.mulf %sub3A_885, %sub3A_885 : vector<8x4096xf32>
      %add3A_890 = arith.addf %add3A_888, %mul3A_889 : vector<8x4096xf32>
      %get3A_891 = arith.constant 0 : index
      %get3A_892 = arith.constant 0 : index
      %get3A_893 = vector.load %arg6[%get3A_891, %get3A_892] : memref<8x4096xf32, #tpu.memory_space<vmem>>, vector<8x4096xf32>
      %min3A = arith.minimumf %get3A_893, %add3A_890 : vector<8x4096xf32>
      %swap3A_894 = arith.constant 0 : index
      %swap3A_895 = arith.constant 0 : index
      %swap3A_896 = vector.load %arg6[%swap3A_894, %swap3A_895] : memref<8x4096xf32, #tpu.memory_space<vmem>>, vector<8x4096xf32>
      tpu.vector_store %arg6[%swap3A_894, %swap3A_895], %min3A {strides = array<i32>} : memref<8x4096xf32, #tpu.memory_space<vmem>>, vector<8x4096xf32>,
      %reduce_max3A = vector.shape_cast %min3A : vector<8x4096xf32> to vector<1x8x4096xf32>
      %reduce_max3A_897 = arith.constant dense<0xFF800000> : vector<1xf32>
      %reduce_max3A_898 = vector.multi_reduction <maximumf>, %reduce_max3A, %reduce_max3A_897 [1, 2] : vector<1x8x4096xf32> to vector<1xf32>
      %reduce_max3A_899 = vector.shape_cast %reduce_max3A_898 : vector<1xf32> to vector<1x1x1xf32>
      %reduce_max3A_900 = vector.extract %reduce_max3A_899[0, 0, 0] : f32 from vector<1x1x1xf32>
      %eq3A_901 = vector.broadcast %reduce_max3A_900 : f32 to vector<8x4096xf32>
      %eq3A_902 = arith.cmpf oeq, %min3A, %eq3A_901 : vector<8x4096xf32>
      %jit3A_903 = arith.constant 2147483647 : i32
      %broadcast_in_dim3A_904 = vector.broadcast %jit3A_903 : i32 to vector<8x4096xi32>
      %select_n3A_905 = arith.select %eq3A_902, %add3A, %broadcast_in_dim3A_904 : vector<8x4096xi1>, vector<8x4096xi32>
      %reduce_min3A_906 = vector.shape_cast %select_n3A_905 : vector<8x4096xi32> to vector<1x8x4096xi32>
      %reduce_min3A_907 = arith.constant dense<2147483647> : vector<1xi32>
      %reduce_min3A_908 = vector.multi_reduction <minsi>, %reduce_min3A_906, %reduce_min3A_907 [1, 2] : vector<1x8x4096xi32> to vector<1xi32>
      %reduce_min3A_909 = vector.shape_cast %reduce_min3A_908 : vector<1xi32> to vector<1x1x1xi32>
      %reduce_min3A_910 = vector.extract %reduce_min3A_909[0, 0, 0] : i32 from vector<1x1x1xi32>
      scf.yield %reduce_min3A_910, %select_n3A_871, %select_n3A_875, %select_n3A_879 : i32, vector<32x1xf32>, vector<32x1xf32>, vector<32x1xf32>
    }
    %scan3A_31 = arith.constant 32 : i32
    %mul3A_32 = arith.mulf %scan3A_30#1, %scan3A_30#1 : vector<32x1xf32>
    %mul3A_33 = arith.mulf %scan3A_30#2, %scan3A_30#2 : vector<32x1xf32>
    %add3A_34 = arith.addf %mul3A_32, %mul3A_33 : vector<32x1xf32>
    %mul3A_35 = arith.mulf %scan3A_30#3, %scan3A_30#3 : vector<32x1xf32>
    %add3A_36 = arith.addf %add3A_34, %mul3A_35 : vector<32x1xf32>
    %convert_element_type3A = arith.truncf %scan3A_30#1 : vector<32x1xf32> to vector<32x1xbf16>
    %convert_element_type3A_37 = arith.extf %convert_element_type3A : vector<32x1xbf16> to vector<32x1xf32>
    %convert_element_type3A_38 = arith.truncf %scan3A_30#2 : vector<32x1xf32> to vector<32x1xbf16>
    %convert_element_type3A_39 = arith.extf %convert_element_type3A_38 : vector<32x1xbf16> to vector<32x1xf32>
    %convert_element_type3A_40 = arith.truncf %scan3A_30#3 : vector<32x1xf32> to vector<32x1xbf16>
    %convert_element_type3A_41 = arith.extf %convert_element_type3A_40 : vector<32x1xbf16> to vector<32x1xf32>
    %iota3A_42 = tpu.iota {dimensions = array<i32: 1>} : vector<32x32768xi32>
    %mul3A_43 = arith.constant 32768 : i32
    %mul3A_44 = arith.muli %arg0, %mul3A_43 : i32
    %get3A_45 = arith.constant 0 : index
    %get3A_46 = arith.constant 0 : index
    %get3A_47 = arith.constant 0 : index
    %get3A_48 = vector.load %arg2[%get3A_45, %get3A_46, %get3A_47] : memref<1x3x32768xf32, #tpu.memory_space<vmem>>, vector<1x1x32768xf32>
    %get3A_49 = vector.shape_cast %get3A_48 : vector<1x1x32768xf32> to vector<1x32768xf32>
    %get3A_50 = arith.constant 0 : index
    %get3A_51 = arith.constant 1 : index
    %get3A_52 = arith.constant 0 : index
    %get3A_53 = vector.load %arg2[%get3A_50, %get3A_51, %get3A_52] : memref<1x3x32768xf32, #tpu.memory_space<vmem>>, vector<1x1x32768xf32>
    %get3A_54 = vector.shape_cast %get3A_53 : vector<1x1x32768xf32> to vector<1x32768xf32>
    %get3A_55 = arith.constant 0 : index
    %get3A_56 = arith.constant 2 : index
    %get3A_57 = arith.constant 0 : index
    %get3A_58 = vector.load %arg2[%get3A_55, %get3A_56, %get3A_57] : memref<1x3x32768xf32, #tpu.memory_space<vmem>>, vector<1x1x32768xf32>
    %get3A_59 = vector.shape_cast %get3A_58 : vector<1x1x32768xf32> to vector<1x32768xf32>
    %mul3A_60 = arith.mulf %get3A_49, %get3A_49 : vector<1x32768xf32>
    %mul3A_61 = arith.mulf %get3A_54, %get3A_54 : vector<1x32768xf32>
    %add3A_62 = arith.addf %mul3A_60, %mul3A_61 : vector<1x32768xf32>
    %mul3A_63 = arith.mulf %get3A_59, %get3A_59 : vector<1x32768xf32>
    %add3A_64 = arith.addf %add3A_62, %mul3A_63 : vector<1x32768xf32>
    %convert_element_type3A_65 = arith.truncf %get3A_49 : vector<1x32768xf32> to vector<1x32768xbf16>
    %convert_element_type3A_66 = arith.extf %convert_element_type3A_65 : vector<1x32768xbf16> to vector<1x32768xf32>
    %convert_element_type3A_67 = arith.truncf %get3A_54 : vector<1x32768xf32> to vector<1x32768xbf16>
    %convert_element_type3A_68 = arith.extf %convert_element_type3A_67 : vector<1x32768xbf16> to vector<1x32768xf32>
    %convert_element_type3A_69 = arith.truncf %get3A_59 : vector<1x32768xf32> to vector<1x32768xbf16>
    %convert_element_type3A_70 = arith.extf %convert_element_type3A_69 : vector<1x32768xbf16> to vector<1x32768xf32>
    %mul3A_71 = vector.broadcast %convert_element_type3A_37 : vector<32x1xf32> to vector<32x32768xf32>
    %mul3A_72 = vector.broadcast %convert_element_type3A_66 : vector<1x32768xf32> to vector<32x32768xf32>
    %mul3A_73 = arith.mulf %mul3A_71, %mul3A_72 : vector<32x32768xf32>
    %mul3A_74 = vector.broadcast %convert_element_type3A_39 : vector<32x1xf32> to vector<32x32768xf32>
    %mul3A_75 = vector.broadcast %convert_element_type3A_68 : vector<1x32768xf32> to vector<32x32768xf32>
    %mul3A_76 = arith.mulf %mul3A_74, %mul3A_75 : vector<32x32768xf32>
    %add3A_77 = arith.addf %mul3A_73, %mul3A_76 : vector<32x32768xf32>
    %mul3A_78 = vector.broadcast %convert_element_type3A_41 : vector<32x1xf32> to vector<32x32768xf32>
    %mul3A_79 = vector.broadcast %convert_element_type3A_70 : vector<1x32768xf32> to vector<32x32768xf32>
    %mul3A_80 = arith.mulf %mul3A_78, %mul3A_79 : vector<32x32768xf32>
    %add3A_81 = arith.addf %add3A_77, %mul3A_80 : vector<32x32768xf32>
    %add3A_82 = vector.broadcast %add3A_36 : vector<32x1xf32> to vector<32x32768xf32>
    %add3A_83 = vector.broadcast %add3A_64 : vector<1x32768xf32> to vector<32x32768xf32>
    %add3A_84 = arith.addf %add3A_82, %add3A_83 : vector<32x32768xf32>
    %mul3A_85 = arith.constant 2.000000e+00 : f32
    %mul3A_86 = vector.broadcast %mul3A_85 : f32 to vector<32x32768xf32>
    %mul3A_87 = arith.mulf %mul3A_86, %add3A_81 : vector<32x32768xf32>
    %sub3A = arith.subf %add3A_84, %mul3A_87 : vector<32x32768xf32>
    %swap3A_88 = arith.constant 0 : index
    %swap3A_89 = arith.constant 0 : index
    %swap3A_90 = vector.load %arg7[%swap3A_88, %swap3A_89] : memref<32x32768xf32, #tpu.memory_space<vmem>>, vector<32x32768xf32>
    tpu.vector_store %arg7[%swap3A_88, %swap3A_89], %sub3A {strides = array<i32>} : memref<32x32768xf32, #tpu.memory_space<vmem>>, vector<32x32768xf32>,
    %get3A_91 = arith.constant 0 : index
    %get3A_92 = arith.constant 0 : index
    %get3A_93 = vector.load %arg7[%get3A_91, %get3A_92] : memref<32x32768xf32, #tpu.memory_space<vmem>>, vector<32x32768xf32>
    %reduce_min3A = arith.constant dense<0x7F800000> : vector<32xf32>
    %reduce_min3A_94 = vector.multi_reduction <minimumf>, %get3A_93, %reduce_min3A [1] : vector<32x32768xf32> to vector<32xf32>
    %broadcast_in_dim3A_95 = vector.shape_cast %reduce_min3A_94 : vector<32xf32> to vector<32x1xf32>
    %eq3A = vector.broadcast %broadcast_in_dim3A_95 : vector<32x1xf32> to vector<32x32768xf32>
    %eq3A_96 = arith.cmpf oeq, %get3A_93, %eq3A : vector<32x32768xf32>
    %jit3A = arith.constant 2147483647 : i32
    %broadcast_in_dim3A_97 = vector.broadcast %jit3A : i32 to vector<32x32768xi32>
    %select_n3A = arith.select %eq3A_96, %iota3A_42, %broadcast_in_dim3A_97 : vector<32x32768xi1>, vector<32x32768xi32>
    %reduce_min3A_98 = arith.constant dense<2147483647> : vector<32xi32>
    %reduce_min3A_99 = vector.multi_reduction <minsi>, %select_n3A, %reduce_min3A_98 [1] : vector<32x32768xi32> to vector<32xi32>
    %broadcast_in_dim3A_100 = vector.shape_cast %reduce_min3A_99 : vector<32xi32> to vector<32x1xi32>
    %add3A_101 = vector.broadcast %mul3A_44 : i32 to vector<32x1xi32>
    %add3A_102 = arith.addi %broadcast_in_dim3A_100, %add3A_101 : vector<32x1xi32>
    %swap3A_103 = arith.constant 0 : index
    %swap3A_104 = arith.constant 0 : index
    %swap3A_105 = arith.constant 0 : index
    %swap3A_106 = vector.load %arg4[%swap3A_103, %swap3A_104, %swap3A_105] : memref<1x32x12xi32, #tpu.memory_space<vmem>>, vector<1x32x1xi32>
    %swap3A_107 = vector.shape_cast %swap3A_106 : vector<1x32x1xi32> to vector<32x1xi32>
    %swap3A_108 = vector.shape_cast %add3A_102 : vector<32x1xi32> to vector<1x32x1xi32>
    tpu.vector_store %arg4[%swap3A_103, %swap3A_104, %swap3A_105], %swap3A_108 {strides = array<i32>} : memref<1x32x12xi32, #tpu.memory_space<vmem>>, vector<1x32x1xi32>,
    %eq3A_109 = vector.broadcast %broadcast_in_dim3A_100 : vector<32x1xi32> to vector<32x32768xi32>
    %eq3A_110 = arith.cmpi eq, %iota3A_42, %eq3A_109 : vector<32x32768xi32>
    %jit3A_111 = arith.constant 0x7F800000 : f32
    %broadcast_in_dim3A_112 = vector.broadcast %jit3A_111 : f32 to vector<32x32768xf32>
    %select_n3A_113 = arith.select %eq3A_110, %broadcast_in_dim3A_112, %get3A_93 : vector<32x32768xi1>, vector<32x32768xf32>
    %swap3A_114 = arith.constant 0 : index
    %swap3A_115 = arith.constant 0 : index
    %swap3A_116 = vector.load %arg7[%swap3A_114, %swap3A_115] : memref<32x32768xf32, #tpu.memory_space<vmem>>, vector<32x32768xf32>
    tpu.vector_store %arg7[%swap3A_114, %swap3A_115], %select_n3A_113 {strides = array<i32>} : memref<32x32768xf32, #tpu.memory_space<vmem>>, vector<32x32768xf32>,
    %get3A_117 = arith.constant 0 : index
    %get3A_118 = arith.constant 0 : index
    %get3A_119 = vector.load %arg7[%get3A_117, %get3A_118] : memref<32x32768xf32, #tpu.memory_space<vmem>>, vector<32x32768xf32>
    %reduce_min3A_120 = arith.constant dense<0x7F800000> : vector<32xf32>
    %reduce_min3A_121 = vector.multi_reduction <minimumf>, %get3A_119, %reduce_min3A_120 [1] : vector<32x32768xf32> to vector<32xf32>
    %broadcast_in_dim3A_122 = vector.shape_cast %reduce_min3A_121 : vector<32xf32> to vector<32x1xf32>
    %eq3A_123 = vector.broadcast %broadcast_in_dim3A_122 : vector<32x1xf32> to vector<32x32768xf32>
    %eq3A_124 = arith.cmpf oeq, %get3A_119, %eq3A_123 : vector<32x32768xf32>
    %jit3A_125 = arith.constant 2147483647 : i32
    %broadcast_in_dim3A_126 = vector.broadcast %jit3A_125 : i32 to vector<32x32768xi32>
    %select_n3A_127 = arith.select %eq3A_124, %iota3A_42, %broadcast_in_dim3A_126 : vector<32x32768xi1>, vector<32x32768xi32>
    %reduce_min3A_128 = arith.constant dense<2147483647> : vector<32xi32>
    %reduce_min3A_129 = vector.multi_reduction <minsi>, %select_n3A_127, %reduce_min3A_128 [1] : vector<32x32768xi32> to vector<32xi32>
    %broadcast_in_dim3A_130 = vector.shape_cast %reduce_min3A_129 : vector<32xi32> to vector<32x1xi32>
    %add3A_131 = vector.broadcast %mul3A_44 : i32 to vector<32x1xi32>
    %add3A_132 = arith.addi %broadcast_in_dim3A_130, %add3A_131 : vector<32x1xi32>
    %swap3A_133 = arith.constant 0 : index
    %swap3A_134 = arith.constant 0 : index
    %swap3A_135 = arith.constant 1 : index
    %swap3A_136 = vector.load %arg4[%swap3A_133, %swap3A_134, %swap3A_135] : memref<1x32x12xi32, #tpu.memory_space<vmem>>, vector<1x32x1xi32>
    %swap3A_137 = vector.shape_cast %swap3A_136 : vector<1x32x1xi32> to vector<32x1xi32>
    %swap3A_138 = vector.shape_cast %add3A_132 : vector<32x1xi32> to vector<1x32x1xi32>
    tpu.vector_store %arg4[%swap3A_133, %swap3A_134, %swap3A_135], %swap3A_138 {strides = array<i32>} : memref<1x32x12xi32, #tpu.memory_space<vmem>>, vector<1x32x1xi32>,
    %eq3A_139 = vector.broadcast %broadcast_in_dim3A_130 : vector<32x1xi32> to vector<32x32768xi32>
    %eq3A_140 = arith.cmpi eq, %iota3A_42, %eq3A_139 : vector<32x32768xi32>
    %jit3A_141 = arith.constant 0x7F800000 : f32
    %broadcast_in_dim3A_142 = vector.broadcast %jit3A_141 : f32 to vector<32x32768xf32>
    %select_n3A_143 = arith.select %eq3A_140, %broadcast_in_dim3A_142, %get3A_119 : vector<32x32768xi1>, vector<32x32768xf32>
    %swap3A_144 = arith.constant 0 : index
    %swap3A_145 = arith.constant 0 : index
    %swap3A_146 = vector.load %arg7[%swap3A_144, %swap3A_145] : memref<32x32768xf32, #tpu.memory_space<vmem>>, vector<32x32768xf32>
    tpu.vector_store %arg7[%swap3A_144, %swap3A_145], %select_n3A_143 {strides = array<i32>} : memref<32x32768xf32, #tpu.memory_space<vmem>>, vector<32x32768xf32>,
    %get3A_147 = arith.constant 0 : index
    %get3A_148 = arith.constant 0 : index
    %get3A_149 = vector.load %arg7[%get3A_147, %get3A_148] : memref<32x32768xf32, #tpu.memory_space<vmem>>, vector<32x32768xf32>
    %reduce_min3A_150 = arith.constant dense<0x7F800000> : vector<32xf32>
    %reduce_min3A_151 = vector.multi_reduction <minimumf>, %get3A_149, %reduce_min3A_150 [1] : vector<32x32768xf32> to vector<32xf32>
    %broadcast_in_dim3A_152 = vector.shape_cast %reduce_min3A_151 : vector<32xf32> to vector<32x1xf32>
    %eq3A_153 = vector.broadcast %broadcast_in_dim3A_152 : vector<32x1xf32> to vector<32x32768xf32>
    %eq3A_154 = arith.cmpf oeq, %get3A_149, %eq3A_153 : vector<32x32768xf32>
    %jit3A_155 = arith.constant 2147483647 : i32
    %broadcast_in_dim3A_156 = vector.broadcast %jit3A_155 : i32 to vector<32x32768xi32>
    %select_n3A_157 = arith.select %eq3A_154, %iota3A_42, %broadcast_in_dim3A_156 : vector<32x32768xi1>, vector<32x32768xi32>
    %reduce_min3A_158 = arith.constant dense<2147483647> : vector<32xi32>
    %reduce_min3A_159 = vector.multi_reduction <minsi>, %select_n3A_157, %reduce_min3A_158 [1] : vector<32x32768xi32> to vector<32xi32>
    %broadcast_in_dim3A_160 = vector.shape_cast %reduce_min3A_159 : vector<32xi32> to vector<32x1xi32>
    %add3A_161 = vector.broadcast %mul3A_44 : i32 to vector<32x1xi32>
    %add3A_162 = arith.addi %broadcast_in_dim3A_160, %add3A_161 : vector<32x1xi32>
    %swap3A_163 = arith.constant 0 : index
    %swap3A_164 = arith.constant 0 : index
    %swap3A_165 = arith.constant 2 : index
    %swap3A_166 = vector.load %arg4[%swap3A_163, %swap3A_164, %swap3A_165] : memref<1x32x12xi32, #tpu.memory_space<vmem>>, vector<1x32x1xi32>
    %swap3A_167 = vector.shape_cast %swap3A_166 : vector<1x32x1xi32> to vector<32x1xi32>
    %swap3A_168 = vector.shape_cast %add3A_162 : vector<32x1xi32> to vector<1x32x1xi32>
    tpu.vector_store %arg4[%swap3A_163, %swap3A_164, %swap3A_165], %swap3A_168 {strides = array<i32>} : memref<1x32x12xi32, #tpu.memory_space<vmem>>, vector<1x32x1xi32>,
    %eq3A_169 = vector.broadcast %broadcast_in_dim3A_160 : vector<32x1xi32> to vector<32x32768xi32>
    %eq3A_170 = arith.cmpi eq, %iota3A_42, %eq3A_169 : vector<32x32768xi32>
    %jit3A_171 = arith.constant 0x7F800000 : f32
    %broadcast_in_dim3A_172 = vector.broadcast %jit3A_171 : f32 to vector<32x32768xf32>
    %select_n3A_173 = arith.select %eq3A_170, %broadcast_in_dim3A_172, %get3A_149 : vector<32x32768xi1>, vector<32x32768xf32>
    %swap3A_174 = arith.constant 0 : index
    %swap3A_175 = arith.constant 0 : index
    %swap3A_176 = vector.load %arg7[%swap3A_174, %swap3A_175] : memref<32x32768xf32, #tpu.memory_space<vmem>>, vector<32x32768xf32>
    tpu.vector_store %arg7[%swap3A_174, %swap3A_175], %select_n3A_173 {strides = array<i32>} : memref<32x32768xf32, #tpu.memory_space<vmem>>, vector<32x32768xf32>,
    %get3A_177 = arith.constant 0 : index
    %get3A_178 = arith.constant 0 : index
    %get3A_179 = vector.load %arg7[%get3A_177, %get3A_178] : memref<32x32768xf32, #tpu.memory_space<vmem>>, vector<32x32768xf32>
    %reduce_min3A_180 = arith.constant dense<0x7F800000> : vector<32xf32>
    %reduce_min3A_181 = vector.multi_reduction <minimumf>, %get3A_179, %reduce_min3A_180 [1] : vector<32x32768xf32> to vector<32xf32>
    %broadcast_in_dim3A_182 = vector.shape_cast %reduce_min3A_181 : vector<32xf32> to vector<32x1xf32>
    %eq3A_183 = vector.broadcast %broadcast_in_dim3A_182 : vector<32x1xf32> to vector<32x32768xf32>
    %eq3A_184 = arith.cmpf oeq, %get3A_179, %eq3A_183 : vector<32x32768xf32>
    %jit3A_185 = arith.constant 2147483647 : i32
    %broadcast_in_dim3A_186 = vector.broadcast %jit3A_185 : i32 to vector<32x32768xi32>
    %select_n3A_187 = arith.select %eq3A_184, %iota3A_42, %broadcast_in_dim3A_186 : vector<32x32768xi1>, vector<32x32768xi32>
    %reduce_min3A_188 = arith.constant dense<2147483647> : vector<32xi32>
    %reduce_min3A_189 = vector.multi_reduction <minsi>, %select_n3A_187, %reduce_min3A_188 [1] : vector<32x32768xi32> to vector<32xi32>
    %broadcast_in_dim3A_190 = vector.shape_cast %reduce_min3A_189 : vector<32xi32> to vector<32x1xi32>
    %add3A_191 = vector.broadcast %mul3A_44 : i32 to vector<32x1xi32>
    %add3A_192 = arith.addi %broadcast_in_dim3A_190, %add3A_191 : vector<32x1xi32>
    %swap3A_193 = arith.constant 0 : index
    %swap3A_194 = arith.constant 0 : index
    %swap3A_195 = arith.constant 3 : index
    %swap3A_196 = vector.load %arg4[%swap3A_193, %swap3A_194, %swap3A_195] : memref<1x32x12xi32, #tpu.memory_space<vmem>>, vector<1x32x1xi32>
    %swap3A_197 = vector.shape_cast %swap3A_196 : vector<1x32x1xi32> to vector<32x1xi32>
    %swap3A_198 = vector.shape_cast %add3A_192 : vector<32x1xi32> to vector<1x32x1xi32>
    tpu.vector_store %arg4[%swap3A_193, %swap3A_194, %swap3A_195], %swap3A_198 {strides = array<i32>} : memref<1x32x12xi32, #tpu.memory_space<vmem>>, vector<1x32x1xi32>,
    %eq3A_199 = vector.broadcast %broadcast_in_dim3A_190 : vector<32x1xi32> to vector<32x32768xi32>
    %eq3A_200 = arith.cmpi eq, %iota3A_42, %eq3A_199 : vector<32x32768xi32>
    %jit3A_201 = arith.constant 0x7F800000 : f32
    %broadcast_in_dim3A_202 = vector.broadcast %jit3A_201 : f32 to vector<32x32768xf32>
    %select_n3A_203 = arith.select %eq3A_200, %broadcast_in_dim3A_202, %get3A_179 : vector<32x32768xi1>, vector<32x32768xf32>
    %swap3A_204 = arith.constant 0 : index
    %swap3A_205 = arith.constant 0 : index
    %swap3A_206 = vector.load %arg7[%swap3A_204, %swap3A_205] : memref<32x32768xf32, #tpu.memory_space<vmem>>, vector<32x32768xf32>
    tpu.vector_store %arg7[%swap3A_204, %swap3A_205], %select_n3A_203 {strides = array<i32>} : memref<32x32768xf32, #tpu.memory_space<vmem>>, vector<32x32768xf32>,
    %get3A_207 = arith.constant 0 : index
    %get3A_208 = arith.constant 0 : index
    %get3A_209 = vector.load %arg7[%get3A_207, %get3A_208] : memref<32x32768xf32, #tpu.memory_space<vmem>>, vector<32x32768xf32>
    %reduce_min3A_210 = arith.constant dense<0x7F800000> : vector<32xf32>
    %reduce_min3A_211 = vector.multi_reduction <minimumf>, %get3A_209, %reduce_min3A_210 [1] : vector<32x32768xf32> to vector<32xf32>
    %broadcast_in_dim3A_212 = vector.shape_cast %reduce_min3A_211 : vector<32xf32> to vector<32x1xf32>
    %eq3A_213 = vector.broadcast %broadcast_in_dim3A_212 : vector<32x1xf32> to vector<32x32768xf32>
    %eq3A_214 = arith.cmpf oeq, %get3A_209, %eq3A_213 : vector<32x32768xf32>
    %jit3A_215 = arith.constant 2147483647 : i32
    %broadcast_in_dim3A_216 = vector.broadcast %jit3A_215 : i32 to vector<32x32768xi32>
    %select_n3A_217 = arith.select %eq3A_214, %iota3A_42, %broadcast_in_dim3A_216 : vector<32x32768xi1>, vector<32x32768xi32>
    %reduce_min3A_218 = arith.constant dense<2147483647> : vector<32xi32>
    %reduce_min3A_219 = vector.multi_reduction <minsi>, %select_n3A_217, %reduce_min3A_218 [1] : vector<32x32768xi32> to vector<32xi32>
    %broadcast_in_dim3A_220 = vector.shape_cast %reduce_min3A_219 : vector<32xi32> to vector<32x1xi32>
    %add3A_221 = vector.broadcast %mul3A_44 : i32 to vector<32x1xi32>
    %add3A_222 = arith.addi %broadcast_in_dim3A_220, %add3A_221 : vector<32x1xi32>
    %swap3A_223 = arith.constant 0 : index
    %swap3A_224 = arith.constant 0 : index
    %swap3A_225 = arith.constant 4 : index
    %swap3A_226 = vector.load %arg4[%swap3A_223, %swap3A_224, %swap3A_225] : memref<1x32x12xi32, #tpu.memory_space<vmem>>, vector<1x32x1xi32>
    %swap3A_227 = vector.shape_cast %swap3A_226 : vector<1x32x1xi32> to vector<32x1xi32>
    %swap3A_228 = vector.shape_cast %add3A_222 : vector<32x1xi32> to vector<1x32x1xi32>
    tpu.vector_store %arg4[%swap3A_223, %swap3A_224, %swap3A_225], %swap3A_228 {strides = array<i32>} : memref<1x32x12xi32, #tpu.memory_space<vmem>>, vector<1x32x1xi32>,
    %eq3A_229 = vector.broadcast %broadcast_in_dim3A_220 : vector<32x1xi32> to vector<32x32768xi32>
    %eq3A_230 = arith.cmpi eq, %iota3A_42, %eq3A_229 : vector<32x32768xi32>
    %jit3A_231 = arith.constant 0x7F800000 : f32
    %broadcast_in_dim3A_232 = vector.broadcast %jit3A_231 : f32 to vector<32x32768xf32>
    %select_n3A_233 = arith.select %eq3A_230, %broadcast_in_dim3A_232, %get3A_209 : vector<32x32768xi1>, vector<32x32768xf32>
    %swap3A_234 = arith.constant 0 : index
    %swap3A_235 = arith.constant 0 : index
    %swap3A_236 = vector.load %arg7[%swap3A_234, %swap3A_235] : memref<32x32768xf32, #tpu.memory_space<vmem>>, vector<32x32768xf32>
    tpu.vector_store %arg7[%swap3A_234, %swap3A_235], %select_n3A_233 {strides = array<i32>} : memref<32x32768xf32, #tpu.memory_space<vmem>>, vector<32x32768xf32>,
    %get3A_237 = arith.constant 0 : index
    %get3A_238 = arith.constant 0 : index
    %get3A_239 = vector.load %arg7[%get3A_237, %get3A_238] : memref<32x32768xf32, #tpu.memory_space<vmem>>, vector<32x32768xf32>
    %reduce_min3A_240 = arith.constant dense<0x7F800000> : vector<32xf32>
    %reduce_min3A_241 = vector.multi_reduction <minimumf>, %get3A_239, %reduce_min3A_240 [1] : vector<32x32768xf32> to vector<32xf32>
    %broadcast_in_dim3A_242 = vector.shape_cast %reduce_min3A_241 : vector<32xf32> to vector<32x1xf32>
    %eq3A_243 = vector.broadcast %broadcast_in_dim3A_242 : vector<32x1xf32> to vector<32x32768xf32>
    %eq3A_244 = arith.cmpf oeq, %get3A_239, %eq3A_243 : vector<32x32768xf32>
    %jit3A_245 = arith.constant 2147483647 : i32
    %broadcast_in_dim3A_246 = vector.broadcast %jit3A_245 : i32 to vector<32x32768xi32>
    %select_n3A_247 = arith.select %eq3A_244, %iota3A_42, %broadcast_in_dim3A_246 : vector<32x32768xi1>, vector<32x32768xi32>
    %reduce_min3A_248 = arith.constant dense<2147483647> : vector<32xi32>
    %reduce_min3A_249 = vector.multi_reduction <minsi>, %select_n3A_247, %reduce_min3A_248 [1] : vector<32x32768xi32> to vector<32xi32>
    %broadcast_in_dim3A_250 = vector.shape_cast %reduce_min3A_249 : vector<32xi32> to vector<32x1xi32>
    %add3A_251 = vector.broadcast %mul3A_44 : i32 to vector<32x1xi32>
    %add3A_252 = arith.addi %broadcast_in_dim3A_250, %add3A_251 : vector<32x1xi32>
    %swap3A_253 = arith.constant 0 : index
    %swap3A_254 = arith.constant 0 : index
    %swap3A_255 = arith.constant 5 : index
    %swap3A_256 = vector.load %arg4[%swap3A_253, %swap3A_254, %swap3A_255] : memref<1x32x12xi32, #tpu.memory_space<vmem>>, vector<1x32x1xi32>
    %swap3A_257 = vector.shape_cast %swap3A_256 : vector<1x32x1xi32> to vector<32x1xi32>
    %swap3A_258 = vector.shape_cast %add3A_252 : vector<32x1xi32> to vector<1x32x1xi32>
    tpu.vector_store %arg4[%swap3A_253, %swap3A_254, %swap3A_255], %swap3A_258 {strides = array<i32>} : memref<1x32x12xi32, #tpu.memory_space<vmem>>, vector<1x32x1xi32>,
    %eq3A_259 = vector.broadcast %broadcast_in_dim3A_250 : vector<32x1xi32> to vector<32x32768xi32>
    %eq3A_260 = arith.cmpi eq, %iota3A_42, %eq3A_259 : vector<32x32768xi32>
    %jit3A_261 = arith.constant 0x7F800000 : f32
    %broadcast_in_dim3A_262 = vector.broadcast %jit3A_261 : f32 to vector<32x32768xf32>
    %select_n3A_263 = arith.select %eq3A_260, %broadcast_in_dim3A_262, %get3A_239 : vector<32x32768xi1>, vector<32x32768xf32>
    %swap3A_264 = arith.constant 0 : index
    %swap3A_265 = arith.constant 0 : index
    %swap3A_266 = vector.load %arg7[%swap3A_264, %swap3A_265] : memref<32x32768xf32, #tpu.memory_space<vmem>>, vector<32x32768xf32>
    tpu.vector_store %arg7[%swap3A_264, %swap3A_265], %select_n3A_263 {strides = array<i32>} : memref<32x32768xf32, #tpu.memory_space<vmem>>, vector<32x32768xf32>,
    %get3A_267 = arith.constant 0 : index
    %get3A_268 = arith.constant 0 : index
    %get3A_269 = vector.load %arg7[%get3A_267, %get3A_268] : memref<32x32768xf32, #tpu.memory_space<vmem>>, vector<32x32768xf32>
    %reduce_min3A_270 = arith.constant dense<0x7F800000> : vector<32xf32>
    %reduce_min3A_271 = vector.multi_reduction <minimumf>, %get3A_269, %reduce_min3A_270 [1] : vector<32x32768xf32> to vector<32xf32>
    %broadcast_in_dim3A_272 = vector.shape_cast %reduce_min3A_271 : vector<32xf32> to vector<32x1xf32>
    %eq3A_273 = vector.broadcast %broadcast_in_dim3A_272 : vector<32x1xf32> to vector<32x32768xf32>
    %eq3A_274 = arith.cmpf oeq, %get3A_269, %eq3A_273 : vector<32x32768xf32>
    %jit3A_275 = arith.constant 2147483647 : i32
    %broadcast_in_dim3A_276 = vector.broadcast %jit3A_275 : i32 to vector<32x32768xi32>
    %select_n3A_277 = arith.select %eq3A_274, %iota3A_42, %broadcast_in_dim3A_276 : vector<32x32768xi1>, vector<32x32768xi32>
    %reduce_min3A_278 = arith.constant dense<2147483647> : vector<32xi32>
    %reduce_min3A_279 = vector.multi_reduction <minsi>, %select_n3A_277, %reduce_min3A_278 [1] : vector<32x32768xi32> to vector<32xi32>
    %broadcast_in_dim3A_280 = vector.shape_cast %reduce_min3A_279 : vector<32xi32> to vector<32x1xi32>
    %add3A_281 = vector.broadcast %mul3A_44 : i32 to vector<32x1xi32>
    %add3A_282 = arith.addi %broadcast_in_dim3A_280, %add3A_281 : vector<32x1xi32>
    %swap3A_283 = arith.constant 0 : index
    %swap3A_284 = arith.constant 0 : index
    %swap3A_285 = arith.constant 6 : index
    %swap3A_286 = vector.load %arg4[%swap3A_283, %swap3A_284, %swap3A_285] : memref<1x32x12xi32, #tpu.memory_space<vmem>>, vector<1x32x1xi32>
    %swap3A_287 = vector.shape_cast %swap3A_286 : vector<1x32x1xi32> to vector<32x1xi32>
    %swap3A_288 = vector.shape_cast %add3A_282 : vector<32x1xi32> to vector<1x32x1xi32>
    tpu.vector_store %arg4[%swap3A_283, %swap3A_284, %swap3A_285], %swap3A_288 {strides = array<i32>} : memref<1x32x12xi32, #tpu.memory_space<vmem>>, vector<1x32x1xi32>,
    %eq3A_289 = vector.broadcast %broadcast_in_dim3A_280 : vector<32x1xi32> to vector<32x32768xi32>
    %eq3A_290 = arith.cmpi eq, %iota3A_42, %eq3A_289 : vector<32x32768xi32>
    %jit3A_291 = arith.constant 0x7F800000 : f32
    %broadcast_in_dim3A_292 = vector.broadcast %jit3A_291 : f32 to vector<32x32768xf32>
    %select_n3A_293 = arith.select %eq3A_290, %broadcast_in_dim3A_292, %get3A_269 : vector<32x32768xi1>, vector<32x32768xf32>
    %swap3A_294 = arith.constant 0 : index
    %swap3A_295 = arith.constant 0 : index
    %swap3A_296 = vector.load %arg7[%swap3A_294, %swap3A_295] : memref<32x32768xf32, #tpu.memory_space<vmem>>, vector<32x32768xf32>
    tpu.vector_store %arg7[%swap3A_294, %swap3A_295], %select_n3A_293 {strides = array<i32>} : memref<32x32768xf32, #tpu.memory_space<vmem>>, vector<32x32768xf32>,
    %get3A_297 = arith.constant 0 : index
    %get3A_298 = arith.constant 0 : index
    %get3A_299 = vector.load %arg7[%get3A_297, %get3A_298] : memref<32x32768xf32, #tpu.memory_space<vmem>>, vector<32x32768xf32>
    %reduce_min3A_300 = arith.constant dense<0x7F800000> : vector<32xf32>
    %reduce_min3A_301 = vector.multi_reduction <minimumf>, %get3A_299, %reduce_min3A_300 [1] : vector<32x32768xf32> to vector<32xf32>
    %broadcast_in_dim3A_302 = vector.shape_cast %reduce_min3A_301 : vector<32xf32> to vector<32x1xf32>
    %eq3A_303 = vector.broadcast %broadcast_in_dim3A_302 : vector<32x1xf32> to vector<32x32768xf32>
    %eq3A_304 = arith.cmpf oeq, %get3A_299, %eq3A_303 : vector<32x32768xf32>
    %jit3A_305 = arith.constant 2147483647 : i32
    %broadcast_in_dim3A_306 = vector.broadcast %jit3A_305 : i32 to vector<32x32768xi32>
    %select_n3A_307 = arith.select %eq3A_304, %iota3A_42, %broadcast_in_dim3A_306 : vector<32x32768xi1>, vector<32x32768xi32>
    %reduce_min3A_308 = arith.constant dense<2147483647> : vector<32xi32>
    %reduce_min3A_309 = vector.multi_reduction <minsi>, %select_n3A_307, %reduce_min3A_308 [1] : vector<32x32768xi32> to vector<32xi32>
    %broadcast_in_dim3A_310 = vector.shape_cast %reduce_min3A_309 : vector<32xi32> to vector<32x1xi32>
    %add3A_311 = vector.broadcast %mul3A_44 : i32 to vector<32x1xi32>
    %add3A_312 = arith.addi %broadcast_in_dim3A_310, %add3A_311 : vector<32x1xi32>
    %swap3A_313 = arith.constant 0 : index
    %swap3A_314 = arith.constant 0 : index
    %swap3A_315 = arith.constant 7 : index
    %swap3A_316 = vector.load %arg4[%swap3A_313, %swap3A_314, %swap3A_315] : memref<1x32x12xi32, #tpu.memory_space<vmem>>, vector<1x32x1xi32>
    %swap3A_317 = vector.shape_cast %swap3A_316 : vector<1x32x1xi32> to vector<32x1xi32>
    %swap3A_318 = vector.shape_cast %add3A_312 : vector<32x1xi32> to vector<1x32x1xi32>
    tpu.vector_store %arg4[%swap3A_313, %swap3A_314, %swap3A_315], %swap3A_318 {strides = array<i32>} : memref<1x32x12xi32, #tpu.memory_space<vmem>>, vector<1x32x1xi32>,
    %eq3A_319 = vector.broadcast %broadcast_in_dim3A_310 : vector<32x1xi32> to vector<32x32768xi32>
    %eq3A_320 = arith.cmpi eq, %iota3A_42, %eq3A_319 : vector<32x32768xi32>
    %jit3A_321 = arith.constant 0x7F800000 : f32
    %broadcast_in_dim3A_322 = vector.broadcast %jit3A_321 : f32 to vector<32x32768xf32>
    %select_n3A_323 = arith.select %eq3A_320, %broadcast_in_dim3A_322, %get3A_299 : vector<32x32768xi1>, vector<32x32768xf32>
    %swap3A_324 = arith.constant 0 : index
    %swap3A_325 = arith.constant 0 : index
    %swap3A_326 = vector.load %arg7[%swap3A_324, %swap3A_325] : memref<32x32768xf32, #tpu.memory_space<vmem>>, vector<32x32768xf32>
    tpu.vector_store %arg7[%swap3A_324, %swap3A_325], %select_n3A_323 {strides = array<i32>} : memref<32x32768xf32, #tpu.memory_space<vmem>>, vector<32x32768xf32>,
    %get3A_327 = arith.constant 0 : index
    %get3A_328 = arith.constant 0 : index
    %get3A_329 = vector.load %arg7[%get3A_327, %get3A_328] : memref<32x32768xf32, #tpu.memory_space<vmem>>, vector<32x32768xf32>
    %reduce_min3A_330 = arith.constant dense<0x7F800000> : vector<32xf32>
    %reduce_min3A_331 = vector.multi_reduction <minimumf>, %get3A_329, %reduce_min3A_330 [1] : vector<32x32768xf32> to vector<32xf32>
    %broadcast_in_dim3A_332 = vector.shape_cast %reduce_min3A_331 : vector<32xf32> to vector<32x1xf32>
    %eq3A_333 = vector.broadcast %broadcast_in_dim3A_332 : vector<32x1xf32> to vector<32x32768xf32>
    %eq3A_334 = arith.cmpf oeq, %get3A_329, %eq3A_333 : vector<32x32768xf32>
    %jit3A_335 = arith.constant 2147483647 : i32
    %broadcast_in_dim3A_336 = vector.broadcast %jit3A_335 : i32 to vector<32x32768xi32>
    %select_n3A_337 = arith.select %eq3A_334, %iota3A_42, %broadcast_in_dim3A_336 : vector<32x32768xi1>, vector<32x32768xi32>
    %reduce_min3A_338 = arith.constant dense<2147483647> : vector<32xi32>
    %reduce_min3A_339 = vector.multi_reduction <minsi>, %select_n3A_337, %reduce_min3A_338 [1] : vector<32x32768xi32> to vector<32xi32>
    %broadcast_in_dim3A_340 = vector.shape_cast %reduce_min3A_339 : vector<32xi32> to vector<32x1xi32>
    %add3A_341 = vector.broadcast %mul3A_44 : i32 to vector<32x1xi32>
    %add3A_342 = arith.addi %broadcast_in_dim3A_340, %add3A_341 : vector<32x1xi32>
    %swap3A_343 = arith.constant 0 : index
    %swap3A_344 = arith.constant 0 : index
    %swap3A_345 = arith.constant 8 : index
    %swap3A_346 = vector.load %arg4[%swap3A_343, %swap3A_344, %swap3A_345] : memref<1x32x12xi32, #tpu.memory_space<vmem>>, vector<1x32x1xi32>
    %swap3A_347 = vector.shape_cast %swap3A_346 : vector<1x32x1xi32> to vector<32x1xi32>
    %swap3A_348 = vector.shape_cast %add3A_342 : vector<32x1xi32> to vector<1x32x1xi32>
    tpu.vector_store %arg4[%swap3A_343, %swap3A_344, %swap3A_345], %swap3A_348 {strides = array<i32>} : memref<1x32x12xi32, #tpu.memory_space<vmem>>, vector<1x32x1xi32>,
    %eq3A_349 = vector.broadcast %broadcast_in_dim3A_340 : vector<32x1xi32> to vector<32x32768xi32>
    %eq3A_350 = arith.cmpi eq, %iota3A_42, %eq3A_349 : vector<32x32768xi32>
    %jit3A_351 = arith.constant 0x7F800000 : f32
    %broadcast_in_dim3A_352 = vector.broadcast %jit3A_351 : f32 to vector<32x32768xf32>
    %select_n3A_353 = arith.select %eq3A_350, %broadcast_in_dim3A_352, %get3A_329 : vector<32x32768xi1>, vector<32x32768xf32>
    %swap3A_354 = arith.constant 0 : index
    %swap3A_355 = arith.constant 0 : index
    %swap3A_356 = vector.load %arg7[%swap3A_354, %swap3A_355] : memref<32x32768xf32, #tpu.memory_space<vmem>>, vector<32x32768xf32>
    tpu.vector_store %arg7[%swap3A_354, %swap3A_355], %select_n3A_353 {strides = array<i32>} : memref<32x32768xf32, #tpu.memory_space<vmem>>, vector<32x32768xf32>,
    %get3A_357 = arith.constant 0 : index
    %get3A_358 = arith.constant 0 : index
    %get3A_359 = vector.load %arg7[%get3A_357, %get3A_358] : memref<32x32768xf32, #tpu.memory_space<vmem>>, vector<32x32768xf32>
    %reduce_min3A_360 = arith.constant dense<0x7F800000> : vector<32xf32>
    %reduce_min3A_361 = vector.multi_reduction <minimumf>, %get3A_359, %reduce_min3A_360 [1] : vector<32x32768xf32> to vector<32xf32>
    %broadcast_in_dim3A_362 = vector.shape_cast %reduce_min3A_361 : vector<32xf32> to vector<32x1xf32>
    %eq3A_363 = vector.broadcast %broadcast_in_dim3A_362 : vector<32x1xf32> to vector<32x32768xf32>
    %eq3A_364 = arith.cmpf oeq, %get3A_359, %eq3A_363 : vector<32x32768xf32>
    %jit3A_365 = arith.constant 2147483647 : i32
    %broadcast_in_dim3A_366 = vector.broadcast %jit3A_365 : i32 to vector<32x32768xi32>
    %select_n3A_367 = arith.select %eq3A_364, %iota3A_42, %broadcast_in_dim3A_366 : vector<32x32768xi1>, vector<32x32768xi32>
    %reduce_min3A_368 = arith.constant dense<2147483647> : vector<32xi32>
    %reduce_min3A_369 = vector.multi_reduction <minsi>, %select_n3A_367, %reduce_min3A_368 [1] : vector<32x32768xi32> to vector<32xi32>
    %broadcast_in_dim3A_370 = vector.shape_cast %reduce_min3A_369 : vector<32xi32> to vector<32x1xi32>
    %add3A_371 = vector.broadcast %mul3A_44 : i32 to vector<32x1xi32>
    %add3A_372 = arith.addi %broadcast_in_dim3A_370, %add3A_371 : vector<32x1xi32>
    %swap3A_373 = arith.constant 0 : index
    %swap3A_374 = arith.constant 0 : index
    %swap3A_375 = arith.constant 9 : index
    %swap3A_376 = vector.load %arg4[%swap3A_373, %swap3A_374, %swap3A_375] : memref<1x32x12xi32, #tpu.memory_space<vmem>>, vector<1x32x1xi32>
    %swap3A_377 = vector.shape_cast %swap3A_376 : vector<1x32x1xi32> to vector<32x1xi32>
    %swap3A_378 = vector.shape_cast %add3A_372 : vector<32x1xi32> to vector<1x32x1xi32>
    tpu.vector_store %arg4[%swap3A_373, %swap3A_374, %swap3A_375], %swap3A_378 {strides = array<i32>} : memref<1x32x12xi32, #tpu.memory_space<vmem>>, vector<1x32x1xi32>,
    %eq3A_379 = vector.broadcast %broadcast_in_dim3A_370 : vector<32x1xi32> to vector<32x32768xi32>
    %eq3A_380 = arith.cmpi eq, %iota3A_42, %eq3A_379 : vector<32x32768xi32>
    %jit3A_381 = arith.constant 0x7F800000 : f32
    %broadcast_in_dim3A_382 = vector.broadcast %jit3A_381 : f32 to vector<32x32768xf32>
    %select_n3A_383 = arith.select %eq3A_380, %broadcast_in_dim3A_382, %get3A_359 : vector<32x32768xi1>, vector<32x32768xf32>
    %swap3A_384 = arith.constant 0 : index
    %swap3A_385 = arith.constant 0 : index
    %swap3A_386 = vector.load %arg7[%swap3A_384, %swap3A_385] : memref<32x32768xf32, #tpu.memory_space<vmem>>, vector<32x32768xf32>
    tpu.vector_store %arg7[%swap3A_384, %swap3A_385], %select_n3A_383 {strides = array<i32>} : memref<32x32768xf32, #tpu.memory_space<vmem>>, vector<32x32768xf32>,
    %get3A_387 = arith.constant 0 : index
    %get3A_388 = arith.constant 0 : index
    %get3A_389 = vector.load %arg7[%get3A_387, %get3A_388] : memref<32x32768xf32, #tpu.memory_space<vmem>>, vector<32x32768xf32>
    %reduce_min3A_390 = arith.constant dense<0x7F800000> : vector<32xf32>
    %reduce_min3A_391 = vector.multi_reduction <minimumf>, %get3A_389, %reduce_min3A_390 [1] : vector<32x32768xf32> to vector<32xf32>
    %broadcast_in_dim3A_392 = vector.shape_cast %reduce_min3A_391 : vector<32xf32> to vector<32x1xf32>
    %eq3A_393 = vector.broadcast %broadcast_in_dim3A_392 : vector<32x1xf32> to vector<32x32768xf32>
    %eq3A_394 = arith.cmpf oeq, %get3A_389, %eq3A_393 : vector<32x32768xf32>
    %jit3A_395 = arith.constant 2147483647 : i32
    %broadcast_in_dim3A_396 = vector.broadcast %jit3A_395 : i32 to vector<32x32768xi32>
    %select_n3A_397 = arith.select %eq3A_394, %iota3A_42, %broadcast_in_dim3A_396 : vector<32x32768xi1>, vector<32x32768xi32>
    %reduce_min3A_398 = arith.constant dense<2147483647> : vector<32xi32>
    %reduce_min3A_399 = vector.multi_reduction <minsi>, %select_n3A_397, %reduce_min3A_398 [1] : vector<32x32768xi32> to vector<32xi32>
    %broadcast_in_dim3A_400 = vector.shape_cast %reduce_min3A_399 : vector<32xi32> to vector<32x1xi32>
    %add3A_401 = vector.broadcast %mul3A_44 : i32 to vector<32x1xi32>
    %add3A_402 = arith.addi %broadcast_in_dim3A_400, %add3A_401 : vector<32x1xi32>
    %swap3A_403 = arith.constant 0 : index
    %swap3A_404 = arith.constant 0 : index
    %swap3A_405 = arith.constant 10 : index
    %swap3A_406 = vector.load %arg4[%swap3A_403, %swap3A_404, %swap3A_405] : memref<1x32x12xi32, #tpu.memory_space<vmem>>, vector<1x32x1xi32>
    %swap3A_407 = vector.shape_cast %swap3A_406 : vector<1x32x1xi32> to vector<32x1xi32>
    %swap3A_408 = vector.shape_cast %add3A_402 : vector<32x1xi32> to vector<1x32x1xi32>
    tpu.vector_store %arg4[%swap3A_403, %swap3A_404, %swap3A_405], %swap3A_408 {strides = array<i32>} : memref<1x32x12xi32, #tpu.memory_space<vmem>>, vector<1x32x1xi32>,
    %eq3A_409 = vector.broadcast %broadcast_in_dim3A_400 : vector<32x1xi32> to vector<32x32768xi32>
    %eq3A_410 = arith.cmpi eq, %iota3A_42, %eq3A_409 : vector<32x32768xi32>
    %jit3A_411 = arith.constant 0x7F800000 : f32
    %broadcast_in_dim3A_412 = vector.broadcast %jit3A_411 : f32 to vector<32x32768xf32>
    %select_n3A_413 = arith.select %eq3A_410, %broadcast_in_dim3A_412, %get3A_389 : vector<32x32768xi1>, vector<32x32768xf32>
    %swap3A_414 = arith.constant 0 : index
    %swap3A_415 = arith.constant 0 : index
    %swap3A_416 = vector.load %arg7[%swap3A_414, %swap3A_415] : memref<32x32768xf32, #tpu.memory_space<vmem>>, vector<32x32768xf32>
    tpu.vector_store %arg7[%swap3A_414, %swap3A_415], %select_n3A_413 {strides = array<i32>} : memref<32x32768xf32, #tpu.memory_space<vmem>>, vector<32x32768xf32>,
    %get3A_417 = arith.constant 0 : index
    %get3A_418 = arith.constant 0 : index
    %get3A_419 = vector.load %arg7[%get3A_417, %get3A_418] : memref<32x32768xf32, #tpu.memory_space<vmem>>, vector<32x32768xf32>
    %reduce_min3A_420 = arith.constant dense<0x7F800000> : vector<32xf32>
    %reduce_min3A_421 = vector.multi_reduction <minimumf>, %get3A_419, %reduce_min3A_420 [1] : vector<32x32768xf32> to vector<32xf32>
    %broadcast_in_dim3A_422 = vector.shape_cast %reduce_min3A_421 : vector<32xf32> to vector<32x1xf32>
    %eq3A_423 = vector.broadcast %broadcast_in_dim3A_422 : vector<32x1xf32> to vector<32x32768xf32>
    %eq3A_424 = arith.cmpf oeq, %get3A_419, %eq3A_423 : vector<32x32768xf32>
    %jit3A_425 = arith.constant 2147483647 : i32
    %broadcast_in_dim3A_426 = vector.broadcast %jit3A_425 : i32 to vector<32x32768xi32>
    %select_n3A_427 = arith.select %eq3A_424, %iota3A_42, %broadcast_in_dim3A_426 : vector<32x32768xi1>, vector<32x32768xi32>
    %reduce_min3A_428 = arith.constant dense<2147483647> : vector<32xi32>
    %reduce_min3A_429 = vector.multi_reduction <minsi>, %select_n3A_427, %reduce_min3A_428 [1] : vector<32x32768xi32> to vector<32xi32>
    %broadcast_in_dim3A_430 = vector.shape_cast %reduce_min3A_429 : vector<32xi32> to vector<32x1xi32>
    %add3A_431 = vector.broadcast %mul3A_44 : i32 to vector<32x1xi32>
    %add3A_432 = arith.addi %broadcast_in_dim3A_430, %add3A_431 : vector<32x1xi32>
    %swap3A_433 = arith.constant 0 : index
    %swap3A_434 = arith.constant 0 : index
    %swap3A_435 = arith.constant 11 : index
    %swap3A_436 = vector.load %arg4[%swap3A_433, %swap3A_434, %swap3A_435] : memref<1x32x12xi32, #tpu.memory_space<vmem>>, vector<1x32x1xi32>
    %swap3A_437 = vector.shape_cast %swap3A_436 : vector<1x32x1xi32> to vector<32x1xi32>
    %swap3A_438 = vector.shape_cast %add3A_432 : vector<32x1xi32> to vector<1x32x1xi32>
    tpu.vector_store %arg4[%swap3A_433, %swap3A_434, %swap3A_435], %swap3A_438 {strides = array<i32>} : memref<1x32x12xi32, #tpu.memory_space<vmem>>, vector<1x32x1xi32>,
    %get3A_439 = arith.constant 0 : index
    %get3A_440 = arith.constant 0 : index
    %get3A_441 = arith.constant 0 : index
    %get3A_442 = vector.load %arg3[%get3A_439, %get3A_440, %get3A_441] : memref<1x3x32768xf32, #tpu.memory_space<vmem>>, vector<1x1x32768xf32>
    %get3A_443 = vector.shape_cast %get3A_442 : vector<1x1x32768xf32> to vector<1x32768xf32>
    %get3A_444 = arith.constant 0 : index
    %get3A_445 = arith.constant 1 : index
    %get3A_446 = arith.constant 0 : index
    %get3A_447 = vector.load %arg3[%get3A_444, %get3A_445, %get3A_446] : memref<1x3x32768xf32, #tpu.memory_space<vmem>>, vector<1x1x32768xf32>
    %get3A_448 = vector.shape_cast %get3A_447 : vector<1x1x32768xf32> to vector<1x32768xf32>
    %get3A_449 = arith.constant 0 : index
    %get3A_450 = arith.constant 2 : index
    %get3A_451 = arith.constant 0 : index
    %get3A_452 = vector.load %arg3[%get3A_449, %get3A_450, %get3A_451] : memref<1x3x32768xf32, #tpu.memory_space<vmem>>, vector<1x1x32768xf32>
    %get3A_453 = vector.shape_cast %get3A_452 : vector<1x1x32768xf32> to vector<1x32768xf32>
    %mul3A_454 = arith.mulf %get3A_443, %get3A_443 : vector<1x32768xf32>
    %mul3A_455 = arith.mulf %get3A_448, %get3A_448 : vector<1x32768xf32>
    %add3A_456 = arith.addf %mul3A_454, %mul3A_455 : vector<1x32768xf32>
    %mul3A_457 = arith.mulf %get3A_453, %get3A_453 : vector<1x32768xf32>
    %add3A_458 = arith.addf %add3A_456, %mul3A_457 : vector<1x32768xf32>
    %convert_element_type3A_459 = arith.truncf %get3A_443 : vector<1x32768xf32> to vector<1x32768xbf16>
    %convert_element_type3A_460 = arith.extf %convert_element_type3A_459 : vector<1x32768xbf16> to vector<1x32768xf32>
    %convert_element_type3A_461 = arith.truncf %get3A_448 : vector<1x32768xf32> to vector<1x32768xbf16>
    %convert_element_type3A_462 = arith.extf %convert_element_type3A_461 : vector<1x32768xbf16> to vector<1x32768xf32>
    %convert_element_type3A_463 = arith.truncf %get3A_453 : vector<1x32768xf32> to vector<1x32768xbf16>
    %convert_element_type3A_464 = arith.extf %convert_element_type3A_463 : vector<1x32768xbf16> to vector<1x32768xf32>
    %mul3A_465 = vector.broadcast %convert_element_type3A_37 : vector<32x1xf32> to vector<32x32768xf32>
    %mul3A_466 = vector.broadcast %convert_element_type3A_460 : vector<1x32768xf32> to vector<32x32768xf32>
    %mul3A_467 = arith.mulf %mul3A_465, %mul3A_466 : vector<32x32768xf32>
    %mul3A_468 = vector.broadcast %convert_element_type3A_39 : vector<32x1xf32> to vector<32x32768xf32>
    %mul3A_469 = vector.broadcast %convert_element_type3A_462 : vector<1x32768xf32> to vector<32x32768xf32>
    %mul3A_470 = arith.mulf %mul3A_468, %mul3A_469 : vector<32x32768xf32>
    %add3A_471 = arith.addf %mul3A_467, %mul3A_470 : vector<32x32768xf32>
    %mul3A_472 = vector.broadcast %convert_element_type3A_41 : vector<32x1xf32> to vector<32x32768xf32>
    %mul3A_473 = vector.broadcast %convert_element_type3A_464 : vector<1x32768xf32> to vector<32x32768xf32>
    %mul3A_474 = arith.mulf %mul3A_472, %mul3A_473 : vector<32x32768xf32>
    %add3A_475 = arith.addf %add3A_471, %mul3A_474 : vector<32x32768xf32>
    %add3A_476 = vector.broadcast %add3A_36 : vector<32x1xf32> to vector<32x32768xf32>
    %add3A_477 = vector.broadcast %add3A_458 : vector<1x32768xf32> to vector<32x32768xf32>
    %add3A_478 = arith.addf %add3A_476, %add3A_477 : vector<32x32768xf32>
    %mul3A_479 = arith.constant 2.000000e+00 : f32
    %mul3A_480 = vector.broadcast %mul3A_479 : f32 to vector<32x32768xf32>
    %mul3A_481 = arith.mulf %mul3A_480, %add3A_475 : vector<32x32768xf32>
    %sub3A_482 = arith.subf %add3A_478, %mul3A_481 : vector<32x32768xf32>
    %swap3A_483 = arith.constant 0 : index
    %swap3A_484 = arith.constant 0 : index
    %swap3A_485 = vector.load %arg7[%swap3A_483, %swap3A_484] : memref<32x32768xf32, #tpu.memory_space<vmem>>, vector<32x32768xf32>
    tpu.vector_store %arg7[%swap3A_483, %swap3A_484], %sub3A_482 {strides = array<i32>} : memref<32x32768xf32, #tpu.memory_space<vmem>>, vector<32x32768xf32>,
    %get3A_486 = arith.constant 0 : index
    %get3A_487 = arith.constant 0 : index
    %get3A_488 = vector.load %arg7[%get3A_486, %get3A_487] : memref<32x32768xf32, #tpu.memory_space<vmem>>, vector<32x32768xf32>
    %reduce_min3A_489 = arith.constant dense<0x7F800000> : vector<32xf32>
    %reduce_min3A_490 = vector.multi_reduction <minimumf>, %get3A_488, %reduce_min3A_489 [1] : vector<32x32768xf32> to vector<32xf32>
    %broadcast_in_dim3A_491 = vector.shape_cast %reduce_min3A_490 : vector<32xf32> to vector<32x1xf32>
    %eq3A_492 = vector.broadcast %broadcast_in_dim3A_491 : vector<32x1xf32> to vector<32x32768xf32>
    %eq3A_493 = arith.cmpf oeq, %get3A_488, %eq3A_492 : vector<32x32768xf32>
    %jit3A_494 = arith.constant 2147483647 : i32
    %broadcast_in_dim3A_495 = vector.broadcast %jit3A_494 : i32 to vector<32x32768xi32>
    %select_n3A_496 = arith.select %eq3A_493, %iota3A_42, %broadcast_in_dim3A_495 : vector<32x32768xi1>, vector<32x32768xi32>
    %reduce_min3A_497 = arith.constant dense<2147483647> : vector<32xi32>
    %reduce_min3A_498 = vector.multi_reduction <minsi>, %select_n3A_496, %reduce_min3A_497 [1] : vector<32x32768xi32> to vector<32xi32>
    %broadcast_in_dim3A_499 = vector.shape_cast %reduce_min3A_498 : vector<32xi32> to vector<32x1xi32>
    %add3A_500 = vector.broadcast %mul3A_44 : i32 to vector<32x1xi32>
    %add3A_501 = arith.addi %broadcast_in_dim3A_499, %add3A_500 : vector<32x1xi32>
    %swap3A_502 = arith.constant 0 : index
    %swap3A_503 = arith.constant 0 : index
    %swap3A_504 = arith.constant 0 : index
    %swap3A_505 = vector.load %arg5[%swap3A_502, %swap3A_503, %swap3A_504] : memref<1x32x12xi32, #tpu.memory_space<vmem>>, vector<1x32x1xi32>
    %swap3A_506 = vector.shape_cast %swap3A_505 : vector<1x32x1xi32> to vector<32x1xi32>
    %swap3A_507 = vector.shape_cast %add3A_501 : vector<32x1xi32> to vector<1x32x1xi32>
    tpu.vector_store %arg5[%swap3A_502, %swap3A_503, %swap3A_504], %swap3A_507 {strides = array<i32>} : memref<1x32x12xi32, #tpu.memory_space<vmem>>, vector<1x32x1xi32>,
    %eq3A_508 = vector.broadcast %broadcast_in_dim3A_499 : vector<32x1xi32> to vector<32x32768xi32>
    %eq3A_509 = arith.cmpi eq, %iota3A_42, %eq3A_508 : vector<32x32768xi32>
    %jit3A_510 = arith.constant 0x7F800000 : f32
    %broadcast_in_dim3A_511 = vector.broadcast %jit3A_510 : f32 to vector<32x32768xf32>
    %select_n3A_512 = arith.select %eq3A_509, %broadcast_in_dim3A_511, %get3A_488 : vector<32x32768xi1>, vector<32x32768xf32>
    %swap3A_513 = arith.constant 0 : index
    %swap3A_514 = arith.constant 0 : index
    %swap3A_515 = vector.load %arg7[%swap3A_513, %swap3A_514] : memref<32x32768xf32, #tpu.memory_space<vmem>>, vector<32x32768xf32>
    tpu.vector_store %arg7[%swap3A_513, %swap3A_514], %select_n3A_512 {strides = array<i32>} : memref<32x32768xf32, #tpu.memory_space<vmem>>, vector<32x32768xf32>,
    %get3A_516 = arith.constant 0 : index
    %get3A_517 = arith.constant 0 : index
    %get3A_518 = vector.load %arg7[%get3A_516, %get3A_517] : memref<32x32768xf32, #tpu.memory_space<vmem>>, vector<32x32768xf32>
    %reduce_min3A_519 = arith.constant dense<0x7F800000> : vector<32xf32>
    %reduce_min3A_520 = vector.multi_reduction <minimumf>, %get3A_518, %reduce_min3A_519 [1] : vector<32x32768xf32> to vector<32xf32>
    %broadcast_in_dim3A_521 = vector.shape_cast %reduce_min3A_520 : vector<32xf32> to vector<32x1xf32>
    %eq3A_522 = vector.broadcast %broadcast_in_dim3A_521 : vector<32x1xf32> to vector<32x32768xf32>
    %eq3A_523 = arith.cmpf oeq, %get3A_518, %eq3A_522 : vector<32x32768xf32>
    %jit3A_524 = arith.constant 2147483647 : i32
    %broadcast_in_dim3A_525 = vector.broadcast %jit3A_524 : i32 to vector<32x32768xi32>
    %select_n3A_526 = arith.select %eq3A_523, %iota3A_42, %broadcast_in_dim3A_525 : vector<32x32768xi1>, vector<32x32768xi32>
    %reduce_min3A_527 = arith.constant dense<2147483647> : vector<32xi32>
    %reduce_min3A_528 = vector.multi_reduction <minsi>, %select_n3A_526, %reduce_min3A_527 [1] : vector<32x32768xi32> to vector<32xi32>
    %broadcast_in_dim3A_529 = vector.shape_cast %reduce_min3A_528 : vector<32xi32> to vector<32x1xi32>
    %add3A_530 = vector.broadcast %mul3A_44 : i32 to vector<32x1xi32>
    %add3A_531 = arith.addi %broadcast_in_dim3A_529, %add3A_530 : vector<32x1xi32>
    %swap3A_532 = arith.constant 0 : index
    %swap3A_533 = arith.constant 0 : index
    %swap3A_534 = arith.constant 1 : index
    %swap3A_535 = vector.load %arg5[%swap3A_532, %swap3A_533, %swap3A_534] : memref<1x32x12xi32, #tpu.memory_space<vmem>>, vector<1x32x1xi32>
    %swap3A_536 = vector.shape_cast %swap3A_535 : vector<1x32x1xi32> to vector<32x1xi32>
    %swap3A_537 = vector.shape_cast %add3A_531 : vector<32x1xi32> to vector<1x32x1xi32>
    tpu.vector_store %arg5[%swap3A_532, %swap3A_533, %swap3A_534], %swap3A_537 {strides = array<i32>} : memref<1x32x12xi32, #tpu.memory_space<vmem>>, vector<1x32x1xi32>,
    %eq3A_538 = vector.broadcast %broadcast_in_dim3A_529 : vector<32x1xi32> to vector<32x32768xi32>
    %eq3A_539 = arith.cmpi eq, %iota3A_42, %eq3A_538 : vector<32x32768xi32>
    %jit3A_540 = arith.constant 0x7F800000 : f32
    %broadcast_in_dim3A_541 = vector.broadcast %jit3A_540 : f32 to vector<32x32768xf32>
    %select_n3A_542 = arith.select %eq3A_539, %broadcast_in_dim3A_541, %get3A_518 : vector<32x32768xi1>, vector<32x32768xf32>
    %swap3A_543 = arith.constant 0 : index
    %swap3A_544 = arith.constant 0 : index
    %swap3A_545 = vector.load %arg7[%swap3A_543, %swap3A_544] : memref<32x32768xf32, #tpu.memory_space<vmem>>, vector<32x32768xf32>
    tpu.vector_store %arg7[%swap3A_543, %swap3A_544], %select_n3A_542 {strides = array<i32>} : memref<32x32768xf32, #tpu.memory_space<vmem>>, vector<32x32768xf32>,
    %get3A_546 = arith.constant 0 : index
    %get3A_547 = arith.constant 0 : index
    %get3A_548 = vector.load %arg7[%get3A_546, %get3A_547] : memref<32x32768xf32, #tpu.memory_space<vmem>>, vector<32x32768xf32>
    %reduce_min3A_549 = arith.constant dense<0x7F800000> : vector<32xf32>
    %reduce_min3A_550 = vector.multi_reduction <minimumf>, %get3A_548, %reduce_min3A_549 [1] : vector<32x32768xf32> to vector<32xf32>
    %broadcast_in_dim3A_551 = vector.shape_cast %reduce_min3A_550 : vector<32xf32> to vector<32x1xf32>
    %eq3A_552 = vector.broadcast %broadcast_in_dim3A_551 : vector<32x1xf32> to vector<32x32768xf32>
    %eq3A_553 = arith.cmpf oeq, %get3A_548, %eq3A_552 : vector<32x32768xf32>
    %jit3A_554 = arith.constant 2147483647 : i32
    %broadcast_in_dim3A_555 = vector.broadcast %jit3A_554 : i32 to vector<32x32768xi32>
    %select_n3A_556 = arith.select %eq3A_553, %iota3A_42, %broadcast_in_dim3A_555 : vector<32x32768xi1>, vector<32x32768xi32>
    %reduce_min3A_557 = arith.constant dense<2147483647> : vector<32xi32>
    %reduce_min3A_558 = vector.multi_reduction <minsi>, %select_n3A_556, %reduce_min3A_557 [1] : vector<32x32768xi32> to vector<32xi32>
    %broadcast_in_dim3A_559 = vector.shape_cast %reduce_min3A_558 : vector<32xi32> to vector<32x1xi32>
    %add3A_560 = vector.broadcast %mul3A_44 : i32 to vector<32x1xi32>
    %add3A_561 = arith.addi %broadcast_in_dim3A_559, %add3A_560 : vector<32x1xi32>
    %swap3A_562 = arith.constant 0 : index
    %swap3A_563 = arith.constant 0 : index
    %swap3A_564 = arith.constant 2 : index
    %swap3A_565 = vector.load %arg5[%swap3A_562, %swap3A_563, %swap3A_564] : memref<1x32x12xi32, #tpu.memory_space<vmem>>, vector<1x32x1xi32>
    %swap3A_566 = vector.shape_cast %swap3A_565 : vector<1x32x1xi32> to vector<32x1xi32>
    %swap3A_567 = vector.shape_cast %add3A_561 : vector<32x1xi32> to vector<1x32x1xi32>
    tpu.vector_store %arg5[%swap3A_562, %swap3A_563, %swap3A_564], %swap3A_567 {strides = array<i32>} : memref<1x32x12xi32, #tpu.memory_space<vmem>>, vector<1x32x1xi32>,
    %eq3A_568 = vector.broadcast %broadcast_in_dim3A_559 : vector<32x1xi32> to vector<32x32768xi32>
    %eq3A_569 = arith.cmpi eq, %iota3A_42, %eq3A_568 : vector<32x32768xi32>
    %jit3A_570 = arith.constant 0x7F800000 : f32
    %broadcast_in_dim3A_571 = vector.broadcast %jit3A_570 : f32 to vector<32x32768xf32>
    %select_n3A_572 = arith.select %eq3A_569, %broadcast_in_dim3A_571, %get3A_548 : vector<32x32768xi1>, vector<32x32768xf32>
    %swap3A_573 = arith.constant 0 : index
    %swap3A_574 = arith.constant 0 : index
    %swap3A_575 = vector.load %arg7[%swap3A_573, %swap3A_574] : memref<32x32768xf32, #tpu.memory_space<vmem>>, vector<32x32768xf32>
    tpu.vector_store %arg7[%swap3A_573, %swap3A_574], %select_n3A_572 {strides = array<i32>} : memref<32x32768xf32, #tpu.memory_space<vmem>>, vector<32x32768xf32>,
    %get3A_576 = arith.constant 0 : index
    %get3A_577 = arith.constant 0 : index
    %get3A_578 = vector.load %arg7[%get3A_576, %get3A_577] : memref<32x32768xf32, #tpu.memory_space<vmem>>, vector<32x32768xf32>
    %reduce_min3A_579 = arith.constant dense<0x7F800000> : vector<32xf32>
    %reduce_min3A_580 = vector.multi_reduction <minimumf>, %get3A_578, %reduce_min3A_579 [1] : vector<32x32768xf32> to vector<32xf32>
    %broadcast_in_dim3A_581 = vector.shape_cast %reduce_min3A_580 : vector<32xf32> to vector<32x1xf32>
    %eq3A_582 = vector.broadcast %broadcast_in_dim3A_581 : vector<32x1xf32> to vector<32x32768xf32>
    %eq3A_583 = arith.cmpf oeq, %get3A_578, %eq3A_582 : vector<32x32768xf32>
    %jit3A_584 = arith.constant 2147483647 : i32
    %broadcast_in_dim3A_585 = vector.broadcast %jit3A_584 : i32 to vector<32x32768xi32>
    %select_n3A_586 = arith.select %eq3A_583, %iota3A_42, %broadcast_in_dim3A_585 : vector<32x32768xi1>, vector<32x32768xi32>
    %reduce_min3A_587 = arith.constant dense<2147483647> : vector<32xi32>
    %reduce_min3A_588 = vector.multi_reduction <minsi>, %select_n3A_586, %reduce_min3A_587 [1] : vector<32x32768xi32> to vector<32xi32>
    %broadcast_in_dim3A_589 = vector.shape_cast %reduce_min3A_588 : vector<32xi32> to vector<32x1xi32>
    %add3A_590 = vector.broadcast %mul3A_44 : i32 to vector<32x1xi32>
    %add3A_591 = arith.addi %broadcast_in_dim3A_589, %add3A_590 : vector<32x1xi32>
    %swap3A_592 = arith.constant 0 : index
    %swap3A_593 = arith.constant 0 : index
    %swap3A_594 = arith.constant 3 : index
    %swap3A_595 = vector.load %arg5[%swap3A_592, %swap3A_593, %swap3A_594] : memref<1x32x12xi32, #tpu.memory_space<vmem>>, vector<1x32x1xi32>
    %swap3A_596 = vector.shape_cast %swap3A_595 : vector<1x32x1xi32> to vector<32x1xi32>
    %swap3A_597 = vector.shape_cast %add3A_591 : vector<32x1xi32> to vector<1x32x1xi32>
    tpu.vector_store %arg5[%swap3A_592, %swap3A_593, %swap3A_594], %swap3A_597 {strides = array<i32>} : memref<1x32x12xi32, #tpu.memory_space<vmem>>, vector<1x32x1xi32>,
    %eq3A_598 = vector.broadcast %broadcast_in_dim3A_589 : vector<32x1xi32> to vector<32x32768xi32>
    %eq3A_599 = arith.cmpi eq, %iota3A_42, %eq3A_598 : vector<32x32768xi32>
    %jit3A_600 = arith.constant 0x7F800000 : f32
    %broadcast_in_dim3A_601 = vector.broadcast %jit3A_600 : f32 to vector<32x32768xf32>
    %select_n3A_602 = arith.select %eq3A_599, %broadcast_in_dim3A_601, %get3A_578 : vector<32x32768xi1>, vector<32x32768xf32>
    %swap3A_603 = arith.constant 0 : index
    %swap3A_604 = arith.constant 0 : index
    %swap3A_605 = vector.load %arg7[%swap3A_603, %swap3A_604] : memref<32x32768xf32, #tpu.memory_space<vmem>>, vector<32x32768xf32>
    tpu.vector_store %arg7[%swap3A_603, %swap3A_604], %select_n3A_602 {strides = array<i32>} : memref<32x32768xf32, #tpu.memory_space<vmem>>, vector<32x32768xf32>,
    %get3A_606 = arith.constant 0 : index
    %get3A_607 = arith.constant 0 : index
    %get3A_608 = vector.load %arg7[%get3A_606, %get3A_607] : memref<32x32768xf32, #tpu.memory_space<vmem>>, vector<32x32768xf32>
    %reduce_min3A_609 = arith.constant dense<0x7F800000> : vector<32xf32>
    %reduce_min3A_610 = vector.multi_reduction <minimumf>, %get3A_608, %reduce_min3A_609 [1] : vector<32x32768xf32> to vector<32xf32>
    %broadcast_in_dim3A_611 = vector.shape_cast %reduce_min3A_610 : vector<32xf32> to vector<32x1xf32>
    %eq3A_612 = vector.broadcast %broadcast_in_dim3A_611 : vector<32x1xf32> to vector<32x32768xf32>
    %eq3A_613 = arith.cmpf oeq, %get3A_608, %eq3A_612 : vector<32x32768xf32>
    %jit3A_614 = arith.constant 2147483647 : i32
    %broadcast_in_dim3A_615 = vector.broadcast %jit3A_614 : i32 to vector<32x32768xi32>
    %select_n3A_616 = arith.select %eq3A_613, %iota3A_42, %broadcast_in_dim3A_615 : vector<32x32768xi1>, vector<32x32768xi32>
    %reduce_min3A_617 = arith.constant dense<2147483647> : vector<32xi32>
    %reduce_min3A_618 = vector.multi_reduction <minsi>, %select_n3A_616, %reduce_min3A_617 [1] : vector<32x32768xi32> to vector<32xi32>
    %broadcast_in_dim3A_619 = vector.shape_cast %reduce_min3A_618 : vector<32xi32> to vector<32x1xi32>
    %add3A_620 = vector.broadcast %mul3A_44 : i32 to vector<32x1xi32>
    %add3A_621 = arith.addi %broadcast_in_dim3A_619, %add3A_620 : vector<32x1xi32>
    %swap3A_622 = arith.constant 0 : index
    %swap3A_623 = arith.constant 0 : index
    %swap3A_624 = arith.constant 4 : index
    %swap3A_625 = vector.load %arg5[%swap3A_622, %swap3A_623, %swap3A_624] : memref<1x32x12xi32, #tpu.memory_space<vmem>>, vector<1x32x1xi32>
    %swap3A_626 = vector.shape_cast %swap3A_625 : vector<1x32x1xi32> to vector<32x1xi32>
    %swap3A_627 = vector.shape_cast %add3A_621 : vector<32x1xi32> to vector<1x32x1xi32>
    tpu.vector_store %arg5[%swap3A_622, %swap3A_623, %swap3A_624], %swap3A_627 {strides = array<i32>} : memref<1x32x12xi32, #tpu.memory_space<vmem>>, vector<1x32x1xi32>,
    %eq3A_628 = vector.broadcast %broadcast_in_dim3A_619 : vector<32x1xi32> to vector<32x32768xi32>
    %eq3A_629 = arith.cmpi eq, %iota3A_42, %eq3A_628 : vector<32x32768xi32>
    %jit3A_630 = arith.constant 0x7F800000 : f32
    %broadcast_in_dim3A_631 = vector.broadcast %jit3A_630 : f32 to vector<32x32768xf32>
    %select_n3A_632 = arith.select %eq3A_629, %broadcast_in_dim3A_631, %get3A_608 : vector<32x32768xi1>, vector<32x32768xf32>
    %swap3A_633 = arith.constant 0 : index
    %swap3A_634 = arith.constant 0 : index
    %swap3A_635 = vector.load %arg7[%swap3A_633, %swap3A_634] : memref<32x32768xf32, #tpu.memory_space<vmem>>, vector<32x32768xf32>
    tpu.vector_store %arg7[%swap3A_633, %swap3A_634], %select_n3A_632 {strides = array<i32>} : memref<32x32768xf32, #tpu.memory_space<vmem>>, vector<32x32768xf32>,
    %get3A_636 = arith.constant 0 : index
    %get3A_637 = arith.constant 0 : index
    %get3A_638 = vector.load %arg7[%get3A_636, %get3A_637] : memref<32x32768xf32, #tpu.memory_space<vmem>>, vector<32x32768xf32>
    %reduce_min3A_639 = arith.constant dense<0x7F800000> : vector<32xf32>
    %reduce_min3A_640 = vector.multi_reduction <minimumf>, %get3A_638, %reduce_min3A_639 [1] : vector<32x32768xf32> to vector<32xf32>
    %broadcast_in_dim3A_641 = vector.shape_cast %reduce_min3A_640 : vector<32xf32> to vector<32x1xf32>
    %eq3A_642 = vector.broadcast %broadcast_in_dim3A_641 : vector<32x1xf32> to vector<32x32768xf32>
    %eq3A_643 = arith.cmpf oeq, %get3A_638, %eq3A_642 : vector<32x32768xf32>
    %jit3A_644 = arith.constant 2147483647 : i32
    %broadcast_in_dim3A_645 = vector.broadcast %jit3A_644 : i32 to vector<32x32768xi32>
    %select_n3A_646 = arith.select %eq3A_643, %iota3A_42, %broadcast_in_dim3A_645 : vector<32x32768xi1>, vector<32x32768xi32>
    %reduce_min3A_647 = arith.constant dense<2147483647> : vector<32xi32>
    %reduce_min3A_648 = vector.multi_reduction <minsi>, %select_n3A_646, %reduce_min3A_647 [1] : vector<32x32768xi32> to vector<32xi32>
    %broadcast_in_dim3A_649 = vector.shape_cast %reduce_min3A_648 : vector<32xi32> to vector<32x1xi32>
    %add3A_650 = vector.broadcast %mul3A_44 : i32 to vector<32x1xi32>
    %add3A_651 = arith.addi %broadcast_in_dim3A_649, %add3A_650 : vector<32x1xi32>
    %swap3A_652 = arith.constant 0 : index
    %swap3A_653 = arith.constant 0 : index
    %swap3A_654 = arith.constant 5 : index
    %swap3A_655 = vector.load %arg5[%swap3A_652, %swap3A_653, %swap3A_654] : memref<1x32x12xi32, #tpu.memory_space<vmem>>, vector<1x32x1xi32>
    %swap3A_656 = vector.shape_cast %swap3A_655 : vector<1x32x1xi32> to vector<32x1xi32>
    %swap3A_657 = vector.shape_cast %add3A_651 : vector<32x1xi32> to vector<1x32x1xi32>
    tpu.vector_store %arg5[%swap3A_652, %swap3A_653, %swap3A_654], %swap3A_657 {strides = array<i32>} : memref<1x32x12xi32, #tpu.memory_space<vmem>>, vector<1x32x1xi32>,
    %eq3A_658 = vector.broadcast %broadcast_in_dim3A_649 : vector<32x1xi32> to vector<32x32768xi32>
    %eq3A_659 = arith.cmpi eq, %iota3A_42, %eq3A_658 : vector<32x32768xi32>
    %jit3A_660 = arith.constant 0x7F800000 : f32
    %broadcast_in_dim3A_661 = vector.broadcast %jit3A_660 : f32 to vector<32x32768xf32>
    %select_n3A_662 = arith.select %eq3A_659, %broadcast_in_dim3A_661, %get3A_638 : vector<32x32768xi1>, vector<32x32768xf32>
    %swap3A_663 = arith.constant 0 : index
    %swap3A_664 = arith.constant 0 : index
    %swap3A_665 = vector.load %arg7[%swap3A_663, %swap3A_664] : memref<32x32768xf32, #tpu.memory_space<vmem>>, vector<32x32768xf32>
    tpu.vector_store %arg7[%swap3A_663, %swap3A_664], %select_n3A_662 {strides = array<i32>} : memref<32x32768xf32, #tpu.memory_space<vmem>>, vector<32x32768xf32>,
    %get3A_666 = arith.constant 0 : index
    %get3A_667 = arith.constant 0 : index
    %get3A_668 = vector.load %arg7[%get3A_666, %get3A_667] : memref<32x32768xf32, #tpu.memory_space<vmem>>, vector<32x32768xf32>
    %reduce_min3A_669 = arith.constant dense<0x7F800000> : vector<32xf32>
    %reduce_min3A_670 = vector.multi_reduction <minimumf>, %get3A_668, %reduce_min3A_669 [1] : vector<32x32768xf32> to vector<32xf32>
    %broadcast_in_dim3A_671 = vector.shape_cast %reduce_min3A_670 : vector<32xf32> to vector<32x1xf32>
    %eq3A_672 = vector.broadcast %broadcast_in_dim3A_671 : vector<32x1xf32> to vector<32x32768xf32>
    %eq3A_673 = arith.cmpf oeq, %get3A_668, %eq3A_672 : vector<32x32768xf32>
    %jit3A_674 = arith.constant 2147483647 : i32
    %broadcast_in_dim3A_675 = vector.broadcast %jit3A_674 : i32 to vector<32x32768xi32>
    %select_n3A_676 = arith.select %eq3A_673, %iota3A_42, %broadcast_in_dim3A_675 : vector<32x32768xi1>, vector<32x32768xi32>
    %reduce_min3A_677 = arith.constant dense<2147483647> : vector<32xi32>
    %reduce_min3A_678 = vector.multi_reduction <minsi>, %select_n3A_676, %reduce_min3A_677 [1] : vector<32x32768xi32> to vector<32xi32>
    %broadcast_in_dim3A_679 = vector.shape_cast %reduce_min3A_678 : vector<32xi32> to vector<32x1xi32>
    %add3A_680 = vector.broadcast %mul3A_44 : i32 to vector<32x1xi32>
    %add3A_681 = arith.addi %broadcast_in_dim3A_679, %add3A_680 : vector<32x1xi32>
    %swap3A_682 = arith.constant 0 : index
    %swap3A_683 = arith.constant 0 : index
    %swap3A_684 = arith.constant 6 : index
    %swap3A_685 = vector.load %arg5[%swap3A_682, %swap3A_683, %swap3A_684] : memref<1x32x12xi32, #tpu.memory_space<vmem>>, vector<1x32x1xi32>
    %swap3A_686 = vector.shape_cast %swap3A_685 : vector<1x32x1xi32> to vector<32x1xi32>
    %swap3A_687 = vector.shape_cast %add3A_681 : vector<32x1xi32> to vector<1x32x1xi32>
    tpu.vector_store %arg5[%swap3A_682, %swap3A_683, %swap3A_684], %swap3A_687 {strides = array<i32>} : memref<1x32x12xi32, #tpu.memory_space<vmem>>, vector<1x32x1xi32>,
    %eq3A_688 = vector.broadcast %broadcast_in_dim3A_679 : vector<32x1xi32> to vector<32x32768xi32>
    %eq3A_689 = arith.cmpi eq, %iota3A_42, %eq3A_688 : vector<32x32768xi32>
    %jit3A_690 = arith.constant 0x7F800000 : f32
    %broadcast_in_dim3A_691 = vector.broadcast %jit3A_690 : f32 to vector<32x32768xf32>
    %select_n3A_692 = arith.select %eq3A_689, %broadcast_in_dim3A_691, %get3A_668 : vector<32x32768xi1>, vector<32x32768xf32>
    %swap3A_693 = arith.constant 0 : index
    %swap3A_694 = arith.constant 0 : index
    %swap3A_695 = vector.load %arg7[%swap3A_693, %swap3A_694] : memref<32x32768xf32, #tpu.memory_space<vmem>>, vector<32x32768xf32>
    tpu.vector_store %arg7[%swap3A_693, %swap3A_694], %select_n3A_692 {strides = array<i32>} : memref<32x32768xf32, #tpu.memory_space<vmem>>, vector<32x32768xf32>,
    %get3A_696 = arith.constant 0 : index
    %get3A_697 = arith.constant 0 : index
    %get3A_698 = vector.load %arg7[%get3A_696, %get3A_697] : memref<32x32768xf32, #tpu.memory_space<vmem>>, vector<32x32768xf32>
    %reduce_min3A_699 = arith.constant dense<0x7F800000> : vector<32xf32>
    %reduce_min3A_700 = vector.multi_reduction <minimumf>, %get3A_698, %reduce_min3A_699 [1] : vector<32x32768xf32> to vector<32xf32>
    %broadcast_in_dim3A_701 = vector.shape_cast %reduce_min3A_700 : vector<32xf32> to vector<32x1xf32>
    %eq3A_702 = vector.broadcast %broadcast_in_dim3A_701 : vector<32x1xf32> to vector<32x32768xf32>
    %eq3A_703 = arith.cmpf oeq, %get3A_698, %eq3A_702 : vector<32x32768xf32>
    %jit3A_704 = arith.constant 2147483647 : i32
    %broadcast_in_dim3A_705 = vector.broadcast %jit3A_704 : i32 to vector<32x32768xi32>
    %select_n3A_706 = arith.select %eq3A_703, %iota3A_42, %broadcast_in_dim3A_705 : vector<32x32768xi1>, vector<32x32768xi32>
    %reduce_min3A_707 = arith.constant dense<2147483647> : vector<32xi32>
    %reduce_min3A_708 = vector.multi_reduction <minsi>, %select_n3A_706, %reduce_min3A_707 [1] : vector<32x32768xi32> to vector<32xi32>
    %broadcast_in_dim3A_709 = vector.shape_cast %reduce_min3A_708 : vector<32xi32> to vector<32x1xi32>
    %add3A_710 = vector.broadcast %mul3A_44 : i32 to vector<32x1xi32>
    %add3A_711 = arith.addi %broadcast_in_dim3A_709, %add3A_710 : vector<32x1xi32>
    %swap3A_712 = arith.constant 0 : index
    %swap3A_713 = arith.constant 0 : index
    %swap3A_714 = arith.constant 7 : index
    %swap3A_715 = vector.load %arg5[%swap3A_712, %swap3A_713, %swap3A_714] : memref<1x32x12xi32, #tpu.memory_space<vmem>>, vector<1x32x1xi32>
    %swap3A_716 = vector.shape_cast %swap3A_715 : vector<1x32x1xi32> to vector<32x1xi32>
    %swap3A_717 = vector.shape_cast %add3A_711 : vector<32x1xi32> to vector<1x32x1xi32>
    tpu.vector_store %arg5[%swap3A_712, %swap3A_713, %swap3A_714], %swap3A_717 {strides = array<i32>} : memref<1x32x12xi32, #tpu.memory_space<vmem>>, vector<1x32x1xi32>,
    %eq3A_718 = vector.broadcast %broadcast_in_dim3A_709 : vector<32x1xi32> to vector<32x32768xi32>
    %eq3A_719 = arith.cmpi eq, %iota3A_42, %eq3A_718 : vector<32x32768xi32>
    %jit3A_720 = arith.constant 0x7F800000 : f32
    %broadcast_in_dim3A_721 = vector.broadcast %jit3A_720 : f32 to vector<32x32768xf32>
    %select_n3A_722 = arith.select %eq3A_719, %broadcast_in_dim3A_721, %get3A_698 : vector<32x32768xi1>, vector<32x32768xf32>
    %swap3A_723 = arith.constant 0 : index
    %swap3A_724 = arith.constant 0 : index
    %swap3A_725 = vector.load %arg7[%swap3A_723, %swap3A_724] : memref<32x32768xf32, #tpu.memory_space<vmem>>, vector<32x32768xf32>
    tpu.vector_store %arg7[%swap3A_723, %swap3A_724], %select_n3A_722 {strides = array<i32>} : memref<32x32768xf32, #tpu.memory_space<vmem>>, vector<32x32768xf32>,
    %get3A_726 = arith.constant 0 : index
    %get3A_727 = arith.constant 0 : index
    %get3A_728 = vector.load %arg7[%get3A_726, %get3A_727] : memref<32x32768xf32, #tpu.memory_space<vmem>>, vector<32x32768xf32>
    %reduce_min3A_729 = arith.constant dense<0x7F800000> : vector<32xf32>
    %reduce_min3A_730 = vector.multi_reduction <minimumf>, %get3A_728, %reduce_min3A_729 [1] : vector<32x32768xf32> to vector<32xf32>
    %broadcast_in_dim3A_731 = vector.shape_cast %reduce_min3A_730 : vector<32xf32> to vector<32x1xf32>
    %eq3A_732 = vector.broadcast %broadcast_in_dim3A_731 : vector<32x1xf32> to vector<32x32768xf32>
    %eq3A_733 = arith.cmpf oeq, %get3A_728, %eq3A_732 : vector<32x32768xf32>
    %jit3A_734 = arith.constant 2147483647 : i32
    %broadcast_in_dim3A_735 = vector.broadcast %jit3A_734 : i32 to vector<32x32768xi32>
    %select_n3A_736 = arith.select %eq3A_733, %iota3A_42, %broadcast_in_dim3A_735 : vector<32x32768xi1>, vector<32x32768xi32>
    %reduce_min3A_737 = arith.constant dense<2147483647> : vector<32xi32>
    %reduce_min3A_738 = vector.multi_reduction <minsi>, %select_n3A_736, %reduce_min3A_737 [1] : vector<32x32768xi32> to vector<32xi32>
    %broadcast_in_dim3A_739 = vector.shape_cast %reduce_min3A_738 : vector<32xi32> to vector<32x1xi32>
    %add3A_740 = vector.broadcast %mul3A_44 : i32 to vector<32x1xi32>
    %add3A_741 = arith.addi %broadcast_in_dim3A_739, %add3A_740 : vector<32x1xi32>
    %swap3A_742 = arith.constant 0 : index
    %swap3A_743 = arith.constant 0 : index
    %swap3A_744 = arith.constant 8 : index
    %swap3A_745 = vector.load %arg5[%swap3A_742, %swap3A_743, %swap3A_744] : memref<1x32x12xi32, #tpu.memory_space<vmem>>, vector<1x32x1xi32>
    %swap3A_746 = vector.shape_cast %swap3A_745 : vector<1x32x1xi32> to vector<32x1xi32>
    %swap3A_747 = vector.shape_cast %add3A_741 : vector<32x1xi32> to vector<1x32x1xi32>
    tpu.vector_store %arg5[%swap3A_742, %swap3A_743, %swap3A_744], %swap3A_747 {strides = array<i32>} : memref<1x32x12xi32, #tpu.memory_space<vmem>>, vector<1x32x1xi32>,
    %eq3A_748 = vector.broadcast %broadcast_in_dim3A_739 : vector<32x1xi32> to vector<32x32768xi32>
    %eq3A_749 = arith.cmpi eq, %iota3A_42, %eq3A_748 : vector<32x32768xi32>
    %jit3A_750 = arith.constant 0x7F800000 : f32
    %broadcast_in_dim3A_751 = vector.broadcast %jit3A_750 : f32 to vector<32x32768xf32>
    %select_n3A_752 = arith.select %eq3A_749, %broadcast_in_dim3A_751, %get3A_728 : vector<32x32768xi1>, vector<32x32768xf32>
    %swap3A_753 = arith.constant 0 : index
    %swap3A_754 = arith.constant 0 : index
    %swap3A_755 = vector.load %arg7[%swap3A_753, %swap3A_754] : memref<32x32768xf32, #tpu.memory_space<vmem>>, vector<32x32768xf32>
    tpu.vector_store %arg7[%swap3A_753, %swap3A_754], %select_n3A_752 {strides = array<i32>} : memref<32x32768xf32, #tpu.memory_space<vmem>>, vector<32x32768xf32>,
    %get3A_756 = arith.constant 0 : index
    %get3A_757 = arith.constant 0 : index
    %get3A_758 = vector.load %arg7[%get3A_756, %get3A_757] : memref<32x32768xf32, #tpu.memory_space<vmem>>, vector<32x32768xf32>
    %reduce_min3A_759 = arith.constant dense<0x7F800000> : vector<32xf32>
    %reduce_min3A_760 = vector.multi_reduction <minimumf>, %get3A_758, %reduce_min3A_759 [1] : vector<32x32768xf32> to vector<32xf32>
    %broadcast_in_dim3A_761 = vector.shape_cast %reduce_min3A_760 : vector<32xf32> to vector<32x1xf32>
    %eq3A_762 = vector.broadcast %broadcast_in_dim3A_761 : vector<32x1xf32> to vector<32x32768xf32>
    %eq3A_763 = arith.cmpf oeq, %get3A_758, %eq3A_762 : vector<32x32768xf32>
    %jit3A_764 = arith.constant 2147483647 : i32
    %broadcast_in_dim3A_765 = vector.broadcast %jit3A_764 : i32 to vector<32x32768xi32>
    %select_n3A_766 = arith.select %eq3A_763, %iota3A_42, %broadcast_in_dim3A_765 : vector<32x32768xi1>, vector<32x32768xi32>
    %reduce_min3A_767 = arith.constant dense<2147483647> : vector<32xi32>
    %reduce_min3A_768 = vector.multi_reduction <minsi>, %select_n3A_766, %reduce_min3A_767 [1] : vector<32x32768xi32> to vector<32xi32>
    %broadcast_in_dim3A_769 = vector.shape_cast %reduce_min3A_768 : vector<32xi32> to vector<32x1xi32>
    %add3A_770 = vector.broadcast %mul3A_44 : i32 to vector<32x1xi32>
    %add3A_771 = arith.addi %broadcast_in_dim3A_769, %add3A_770 : vector<32x1xi32>
    %swap3A_772 = arith.constant 0 : index
    %swap3A_773 = arith.constant 0 : index
    %swap3A_774 = arith.constant 9 : index
    %swap3A_775 = vector.load %arg5[%swap3A_772, %swap3A_773, %swap3A_774] : memref<1x32x12xi32, #tpu.memory_space<vmem>>, vector<1x32x1xi32>
    %swap3A_776 = vector.shape_cast %swap3A_775 : vector<1x32x1xi32> to vector<32x1xi32>
    %swap3A_777 = vector.shape_cast %add3A_771 : vector<32x1xi32> to vector<1x32x1xi32>
    tpu.vector_store %arg5[%swap3A_772, %swap3A_773, %swap3A_774], %swap3A_777 {strides = array<i32>} : memref<1x32x12xi32, #tpu.memory_space<vmem>>, vector<1x32x1xi32>,
    %eq3A_778 = vector.broadcast %broadcast_in_dim3A_769 : vector<32x1xi32> to vector<32x32768xi32>
    %eq3A_779 = arith.cmpi eq, %iota3A_42, %eq3A_778 : vector<32x32768xi32>
    %jit3A_780 = arith.constant 0x7F800000 : f32
    %broadcast_in_dim3A_781 = vector.broadcast %jit3A_780 : f32 to vector<32x32768xf32>
    %select_n3A_782 = arith.select %eq3A_779, %broadcast_in_dim3A_781, %get3A_758 : vector<32x32768xi1>, vector<32x32768xf32>
    %swap3A_783 = arith.constant 0 : index
    %swap3A_784 = arith.constant 0 : index
    %swap3A_785 = vector.load %arg7[%swap3A_783, %swap3A_784] : memref<32x32768xf32, #tpu.memory_space<vmem>>, vector<32x32768xf32>
    tpu.vector_store %arg7[%swap3A_783, %swap3A_784], %select_n3A_782 {strides = array<i32>} : memref<32x32768xf32, #tpu.memory_space<vmem>>, vector<32x32768xf32>,
    %get3A_786 = arith.constant 0 : index
    %get3A_787 = arith.constant 0 : index
    %get3A_788 = vector.load %arg7[%get3A_786, %get3A_787] : memref<32x32768xf32, #tpu.memory_space<vmem>>, vector<32x32768xf32>
    %reduce_min3A_789 = arith.constant dense<0x7F800000> : vector<32xf32>
    %reduce_min3A_790 = vector.multi_reduction <minimumf>, %get3A_788, %reduce_min3A_789 [1] : vector<32x32768xf32> to vector<32xf32>
    %broadcast_in_dim3A_791 = vector.shape_cast %reduce_min3A_790 : vector<32xf32> to vector<32x1xf32>
    %eq3A_792 = vector.broadcast %broadcast_in_dim3A_791 : vector<32x1xf32> to vector<32x32768xf32>
    %eq3A_793 = arith.cmpf oeq, %get3A_788, %eq3A_792 : vector<32x32768xf32>
    %jit3A_794 = arith.constant 2147483647 : i32
    %broadcast_in_dim3A_795 = vector.broadcast %jit3A_794 : i32 to vector<32x32768xi32>
    %select_n3A_796 = arith.select %eq3A_793, %iota3A_42, %broadcast_in_dim3A_795 : vector<32x32768xi1>, vector<32x32768xi32>
    %reduce_min3A_797 = arith.constant dense<2147483647> : vector<32xi32>
    %reduce_min3A_798 = vector.multi_reduction <minsi>, %select_n3A_796, %reduce_min3A_797 [1] : vector<32x32768xi32> to vector<32xi32>
    %broadcast_in_dim3A_799 = vector.shape_cast %reduce_min3A_798 : vector<32xi32> to vector<32x1xi32>
    %add3A_800 = vector.broadcast %mul3A_44 : i32 to vector<32x1xi32>
    %add3A_801 = arith.addi %broadcast_in_dim3A_799, %add3A_800 : vector<32x1xi32>
    %swap3A_802 = arith.constant 0 : index
    %swap3A_803 = arith.constant 0 : index
    %swap3A_804 = arith.constant 10 : index
    %swap3A_805 = vector.load %arg5[%swap3A_802, %swap3A_803, %swap3A_804] : memref<1x32x12xi32, #tpu.memory_space<vmem>>, vector<1x32x1xi32>
    %swap3A_806 = vector.shape_cast %swap3A_805 : vector<1x32x1xi32> to vector<32x1xi32>
    %swap3A_807 = vector.shape_cast %add3A_801 : vector<32x1xi32> to vector<1x32x1xi32>
    tpu.vector_store %arg5[%swap3A_802, %swap3A_803, %swap3A_804], %swap3A_807 {strides = array<i32>} : memref<1x32x12xi32, #tpu.memory_space<vmem>>, vector<1x32x1xi32>,
    %eq3A_808 = vector.broadcast %broadcast_in_dim3A_799 : vector<32x1xi32> to vector<32x32768xi32>
    %eq3A_809 = arith.cmpi eq, %iota3A_42, %eq3A_808 : vector<32x32768xi32>
    %jit3A_810 = arith.constant 0x7F800000 : f32
    %broadcast_in_dim3A_811 = vector.broadcast %jit3A_810 : f32 to vector<32x32768xf32>
    %select_n3A_812 = arith.select %eq3A_809, %broadcast_in_dim3A_811, %get3A_788 : vector<32x32768xi1>, vector<32x32768xf32>
    %swap3A_813 = arith.constant 0 : index
    %swap3A_814 = arith.constant 0 : index
    %swap3A_815 = vector.load %arg7[%swap3A_813, %swap3A_814] : memref<32x32768xf32, #tpu.memory_space<vmem>>, vector<32x32768xf32>
    tpu.vector_store %arg7[%swap3A_813, %swap3A_814], %select_n3A_812 {strides = array<i32>} : memref<32x32768xf32, #tpu.memory_space<vmem>>, vector<32x32768xf32>,
    %get3A_816 = arith.constant 0 : index
    %get3A_817 = arith.constant 0 : index
    %get3A_818 = vector.load %arg7[%get3A_816, %get3A_817] : memref<32x32768xf32, #tpu.memory_space<vmem>>, vector<32x32768xf32>
    %reduce_min3A_819 = arith.constant dense<0x7F800000> : vector<32xf32>
    %reduce_min3A_820 = vector.multi_reduction <minimumf>, %get3A_818, %reduce_min3A_819 [1] : vector<32x32768xf32> to vector<32xf32>
    %broadcast_in_dim3A_821 = vector.shape_cast %reduce_min3A_820 : vector<32xf32> to vector<32x1xf32>
    %eq3A_822 = vector.broadcast %broadcast_in_dim3A_821 : vector<32x1xf32> to vector<32x32768xf32>
    %eq3A_823 = arith.cmpf oeq, %get3A_818, %eq3A_822 : vector<32x32768xf32>
    %jit3A_824 = arith.constant 2147483647 : i32
    %broadcast_in_dim3A_825 = vector.broadcast %jit3A_824 : i32 to vector<32x32768xi32>
    %select_n3A_826 = arith.select %eq3A_823, %iota3A_42, %broadcast_in_dim3A_825 : vector<32x32768xi1>, vector<32x32768xi32>
    %reduce_min3A_827 = arith.constant dense<2147483647> : vector<32xi32>
    %reduce_min3A_828 = vector.multi_reduction <minsi>, %select_n3A_826, %reduce_min3A_827 [1] : vector<32x32768xi32> to vector<32xi32>
    %broadcast_in_dim3A_829 = vector.shape_cast %reduce_min3A_828 : vector<32xi32> to vector<32x1xi32>
    %add3A_830 = vector.broadcast %mul3A_44 : i32 to vector<32x1xi32>
    %add3A_831 = arith.addi %broadcast_in_dim3A_829, %add3A_830 : vector<32x1xi32>
    %swap3A_832 = arith.constant 0 : index
    %swap3A_833 = arith.constant 0 : index
    %swap3A_834 = arith.constant 11 : index
    %swap3A_835 = vector.load %arg5[%swap3A_832, %swap3A_833, %swap3A_834] : memref<1x32x12xi32, #tpu.memory_space<vmem>>, vector<1x32x1xi32>
    %swap3A_836 = vector.shape_cast %swap3A_835 : vector<1x32x1xi32> to vector<32x1xi32>
    %swap3A_837 = vector.shape_cast %add3A_831 : vector<32x1xi32> to vector<1x32x1xi32>
    tpu.vector_store %arg5[%swap3A_832, %swap3A_833, %swap3A_834], %swap3A_837 {strides = array<i32>} : memref<1x32x12xi32, #tpu.memory_space<vmem>>, vector<1x32x1xi32>,
    return
  }
  func.func @transform_0(%arg0: i32) -> (i32, i32, i32, i32) {
    %c0_i32 = arith.constant 0 : i32
    %c0_i32_0 = arith.constant 0 : i32
    %c0_i32_1 = arith.constant 0 : i32
    %c0_i32_2 = arith.constant 0 : i32
    return %arg0, %c0_i32, %c0_i32_0, %c0_i32_1 : i32, i32, i32, i32
  }
  func.func @transform_1(%arg0: i32) -> (i32, i32, i32) {
    %c0_i32 = arith.constant 0 : i32
    %c0_i32_0 = arith.constant 0 : i32
    %c0_i32_1 = arith.constant 0 : i32
    return %arg0, %c0_i32, %c0_i32_0 : i32, i32, i32
  }
  func.func @transform_2(%arg0: i32) -> (i32, i32, i32) {
    %c0_i32 = arith.constant 0 : i32
    %c0_i32_0 = arith.constant 0 : i32
    %c0_i32_1 = arith.constant 0 : i32
    return %arg0, %c0_i32, %c0_i32_0 : i32, i32, i32
  }
  func.func @transform_3(%arg0: i32) -> (i32, i32, i32) {
    %c0_i32 = arith.constant 0 : i32
    %c0_i32_0 = arith.constant 0 : i32
    %c0_i32_1 = arith.constant 0 : i32
    return %arg0, %c0_i32, %c0_i32_0 : i32, i32, i32
  }
  func.func @transform_4(%arg0: i32) -> (i32, i32, i32) {
    %c0_i32 = arith.constant 0 : i32
    %c0_i32_0 = arith.constant 0 : i32
    %c0_i32_1 = arith.constant 0 : i32
    return %arg0, %c0_i32, %c0_i32_0 : i32, i32, i32
  }
}

module attributes {stable_mosaic.version = 14 : i64} {
  func.func @_conv_pool_body(%arg0: memref<768x1024xf32, #tpu.memory_space<vmem>>, %arg1: memref<768x256xf32, #tpu.memory_space<vmem>>, %arg2: memref<1024x1024xbf16, #tpu.memory_space<vmem>>, %arg3: memref<1024x256xbf16, #tpu.memory_space<vmem>>, %arg4: memref<1x1024xf32, #tpu.memory_space<vmem>>, %arg5: memref<1x1024xf32, #tpu.memory_space<vmem>>, %arg6: memref<1x1024xf32, #tpu.memory_space<vmem>>, %arg7: memref<1x1024xf32, #tpu.memory_space<vmem>>, %arg8: memref<64x1024xf32, #tpu.memory_space<vmem>>, %arg9: memref<64x1024xf32, #tpu.memory_space<vmem>>) attributes {dimension_semantics = [], scalar_prefetch = 0 : i64, scratch_operands = 0 : i64, tpu.core_type = #tpu.core_type<tc>} {
    %get3A = arith.constant 0 : index
    %get3A_0 = arith.constant 0 : index
    %get3A_1 = vector.load %arg0[%get3A, %get3A_0] : memref<768x1024xf32, #tpu.memory_space<vmem>>, vector<768x1024xf32>
    %convert_element_type3A = arith.truncf %get3A_1 : vector<768x1024xf32> to vector<768x1024xbf16>
    %get3A_2 = arith.constant 0 : index
    %get3A_3 = arith.constant 0 : index
    %get3A_4 = vector.load %arg2[%get3A_2, %get3A_3] : memref<1024x1024xbf16, #tpu.memory_space<vmem>>, vector<1024x1024xbf16>
    %dot_general3A = arith.constant dense<0.000000e+00> : vector<768x1024xf32>
    %dot_general3A_5 = tpu.matmul %convert_element_type3A, %get3A_4, %dot_general3A {dimension_numbers = #tpu.dot_dimension_numbers<[1], [1], [0], [0], [0, 0, 1, 0], [], []>, transpose_lhs_hint = false} : vector<768x1024xbf16>, vector<1024x1024xbf16>, vector<768x1024xf32> -> vector<768x1024xf32>
    %get3A_6 = arith.constant 0 : index
    %get3A_7 = arith.constant 0 : index
    %get3A_8 = vector.load %arg4[%get3A_6, %get3A_7] : memref<1x1024xf32, #tpu.memory_space<vmem>>, vector<1x1024xf32>
    %mul3A = vector.broadcast %get3A_8 : vector<1x1024xf32> to vector<768x1024xf32>
    %mul3A_9 = arith.mulf %dot_general3A_5, %mul3A : vector<768x1024xf32>
    %get3A_10 = arith.constant 0 : index
    %get3A_11 = arith.constant 0 : index
    %get3A_12 = vector.load %arg5[%get3A_10, %get3A_11] : memref<1x1024xf32, #tpu.memory_space<vmem>>, vector<1x1024xf32>
    %add3A = vector.broadcast %get3A_12 : vector<1x1024xf32> to vector<768x1024xf32>
    %add3A_13 = arith.addf %mul3A_9, %add3A : vector<768x1024xf32>
    %max3A = arith.constant 0.000000e+00 : f32
    %max3A_14 = vector.broadcast %max3A : f32 to vector<768x1024xf32>
    %max3A_15 = arith.maximumf %add3A_13, %max3A_14 : vector<768x1024xf32>
    %slice3A = vector.extract_strided_slice %max3A_15 {offsets = [0, 0], sizes = [64, 1024], strides = [1, 1]} : vector<768x1024xf32> to vector<64x1024xf32>
    %slice3A_16 = vector.extract_strided_slice %max3A_15 {offsets = [64, 0], sizes = [64, 1024], strides = [1, 1]} : vector<768x1024xf32> to vector<64x1024xf32>
    %max3A_17 = arith.maximumf %slice3A, %slice3A_16 : vector<64x1024xf32>
    %slice3A_18 = vector.extract_strided_slice %max3A_15 {offsets = [128, 0], sizes = [64, 1024], strides = [1, 1]} : vector<768x1024xf32> to vector<64x1024xf32>
    %max3A_19 = arith.maximumf %max3A_17, %slice3A_18 : vector<64x1024xf32>
    %slice3A_20 = vector.extract_strided_slice %max3A_15 {offsets = [192, 0], sizes = [64, 1024], strides = [1, 1]} : vector<768x1024xf32> to vector<64x1024xf32>
    %max3A_21 = arith.maximumf %max3A_19, %slice3A_20 : vector<64x1024xf32>
    %slice3A_22 = vector.extract_strided_slice %max3A_15 {offsets = [256, 0], sizes = [64, 1024], strides = [1, 1]} : vector<768x1024xf32> to vector<64x1024xf32>
    %max3A_23 = arith.maximumf %max3A_21, %slice3A_22 : vector<64x1024xf32>
    %slice3A_24 = vector.extract_strided_slice %max3A_15 {offsets = [320, 0], sizes = [64, 1024], strides = [1, 1]} : vector<768x1024xf32> to vector<64x1024xf32>
    %max3A_25 = arith.maximumf %max3A_23, %slice3A_24 : vector<64x1024xf32>
    %slice3A_26 = vector.extract_strided_slice %max3A_15 {offsets = [384, 0], sizes = [64, 1024], strides = [1, 1]} : vector<768x1024xf32> to vector<64x1024xf32>
    %max3A_27 = arith.maximumf %max3A_25, %slice3A_26 : vector<64x1024xf32>
    %slice3A_28 = vector.extract_strided_slice %max3A_15 {offsets = [448, 0], sizes = [64, 1024], strides = [1, 1]} : vector<768x1024xf32> to vector<64x1024xf32>
    %max3A_29 = arith.maximumf %max3A_27, %slice3A_28 : vector<64x1024xf32>
    %slice3A_30 = vector.extract_strided_slice %max3A_15 {offsets = [512, 0], sizes = [64, 1024], strides = [1, 1]} : vector<768x1024xf32> to vector<64x1024xf32>
    %max3A_31 = arith.maximumf %max3A_29, %slice3A_30 : vector<64x1024xf32>
    %slice3A_32 = vector.extract_strided_slice %max3A_15 {offsets = [576, 0], sizes = [64, 1024], strides = [1, 1]} : vector<768x1024xf32> to vector<64x1024xf32>
    %max3A_33 = arith.maximumf %max3A_31, %slice3A_32 : vector<64x1024xf32>
    %slice3A_34 = vector.extract_strided_slice %max3A_15 {offsets = [640, 0], sizes = [64, 1024], strides = [1, 1]} : vector<768x1024xf32> to vector<64x1024xf32>
    %max3A_35 = arith.maximumf %max3A_33, %slice3A_34 : vector<64x1024xf32>
    %slice3A_36 = vector.extract_strided_slice %max3A_15 {offsets = [704, 0], sizes = [64, 1024], strides = [1, 1]} : vector<768x1024xf32> to vector<64x1024xf32>
    %max3A_37 = arith.maximumf %max3A_35, %slice3A_36 : vector<64x1024xf32>
    %swap3A = arith.constant 0 : index
    %swap3A_38 = arith.constant 0 : index
    %swap3A_39 = vector.load %arg8[%swap3A, %swap3A_38] : memref<64x1024xf32, #tpu.memory_space<vmem>>, vector<64x1024xf32>
    tpu.vector_store %arg8[%swap3A, %swap3A_38], %max3A_37 {strides = array<i32>} : memref<64x1024xf32, #tpu.memory_space<vmem>>, vector<64x1024xf32>,
    %get3A_40 = arith.constant 0 : index
    %get3A_41 = arith.constant 0 : index
    %get3A_42 = vector.load %arg1[%get3A_40, %get3A_41] : memref<768x256xf32, #tpu.memory_space<vmem>>, vector<768x256xf32>
    %convert_element_type3A_43 = arith.truncf %get3A_42 : vector<768x256xf32> to vector<768x256xbf16>
    %get3A_44 = arith.constant 0 : index
    %get3A_45 = arith.constant 0 : index
    %get3A_46 = vector.load %arg3[%get3A_44, %get3A_45] : memref<1024x256xbf16, #tpu.memory_space<vmem>>, vector<1024x256xbf16>
    %dot_general3A_47 = arith.constant dense<0.000000e+00> : vector<768x1024xf32>
    %dot_general3A_48 = tpu.matmul %convert_element_type3A_43, %get3A_46, %dot_general3A_47 {dimension_numbers = #tpu.dot_dimension_numbers<[1], [1], [0], [0], [0, 0, 1, 0], [], []>, transpose_lhs_hint = false} : vector<768x256xbf16>, vector<1024x256xbf16>, vector<768x1024xf32> -> vector<768x1024xf32>
    %get3A_49 = arith.constant 0 : index
    %get3A_50 = arith.constant 0 : index
    %get3A_51 = vector.load %arg6[%get3A_49, %get3A_50] : memref<1x1024xf32, #tpu.memory_space<vmem>>, vector<1x1024xf32>
    %mul3A_52 = vector.broadcast %get3A_51 : vector<1x1024xf32> to vector<768x1024xf32>
    %mul3A_53 = arith.mulf %dot_general3A_48, %mul3A_52 : vector<768x1024xf32>
    %get3A_54 = arith.constant 0 : index
    %get3A_55 = arith.constant 0 : index
    %get3A_56 = vector.load %arg7[%get3A_54, %get3A_55] : memref<1x1024xf32, #tpu.memory_space<vmem>>, vector<1x1024xf32>
    %add3A_57 = vector.broadcast %get3A_56 : vector<1x1024xf32> to vector<768x1024xf32>
    %add3A_58 = arith.addf %mul3A_53, %add3A_57 : vector<768x1024xf32>
    %max3A_59 = arith.constant 0.000000e+00 : f32
    %max3A_60 = vector.broadcast %max3A_59 : f32 to vector<768x1024xf32>
    %max3A_61 = arith.maximumf %add3A_58, %max3A_60 : vector<768x1024xf32>
    %slice3A_62 = vector.extract_strided_slice %max3A_61 {offsets = [0, 0], sizes = [64, 1024], strides = [1, 1]} : vector<768x1024xf32> to vector<64x1024xf32>
    %slice3A_63 = vector.extract_strided_slice %max3A_61 {offsets = [64, 0], sizes = [64, 1024], strides = [1, 1]} : vector<768x1024xf32> to vector<64x1024xf32>
    %max3A_64 = arith.maximumf %slice3A_62, %slice3A_63 : vector<64x1024xf32>
    %slice3A_65 = vector.extract_strided_slice %max3A_61 {offsets = [128, 0], sizes = [64, 1024], strides = [1, 1]} : vector<768x1024xf32> to vector<64x1024xf32>
    %max3A_66 = arith.maximumf %max3A_64, %slice3A_65 : vector<64x1024xf32>
    %slice3A_67 = vector.extract_strided_slice %max3A_61 {offsets = [192, 0], sizes = [64, 1024], strides = [1, 1]} : vector<768x1024xf32> to vector<64x1024xf32>
    %max3A_68 = arith.maximumf %max3A_66, %slice3A_67 : vector<64x1024xf32>
    %slice3A_69 = vector.extract_strided_slice %max3A_61 {offsets = [256, 0], sizes = [64, 1024], strides = [1, 1]} : vector<768x1024xf32> to vector<64x1024xf32>
    %max3A_70 = arith.maximumf %max3A_68, %slice3A_69 : vector<64x1024xf32>
    %slice3A_71 = vector.extract_strided_slice %max3A_61 {offsets = [320, 0], sizes = [64, 1024], strides = [1, 1]} : vector<768x1024xf32> to vector<64x1024xf32>
    %max3A_72 = arith.maximumf %max3A_70, %slice3A_71 : vector<64x1024xf32>
    %slice3A_73 = vector.extract_strided_slice %max3A_61 {offsets = [384, 0], sizes = [64, 1024], strides = [1, 1]} : vector<768x1024xf32> to vector<64x1024xf32>
    %max3A_74 = arith.maximumf %max3A_72, %slice3A_73 : vector<64x1024xf32>
    %slice3A_75 = vector.extract_strided_slice %max3A_61 {offsets = [448, 0], sizes = [64, 1024], strides = [1, 1]} : vector<768x1024xf32> to vector<64x1024xf32>
    %max3A_76 = arith.maximumf %max3A_74, %slice3A_75 : vector<64x1024xf32>
    %slice3A_77 = vector.extract_strided_slice %max3A_61 {offsets = [512, 0], sizes = [64, 1024], strides = [1, 1]} : vector<768x1024xf32> to vector<64x1024xf32>
    %max3A_78 = arith.maximumf %max3A_76, %slice3A_77 : vector<64x1024xf32>
    %slice3A_79 = vector.extract_strided_slice %max3A_61 {offsets = [576, 0], sizes = [64, 1024], strides = [1, 1]} : vector<768x1024xf32> to vector<64x1024xf32>
    %max3A_80 = arith.maximumf %max3A_78, %slice3A_79 : vector<64x1024xf32>
    %slice3A_81 = vector.extract_strided_slice %max3A_61 {offsets = [640, 0], sizes = [64, 1024], strides = [1, 1]} : vector<768x1024xf32> to vector<64x1024xf32>
    %max3A_82 = arith.maximumf %max3A_80, %slice3A_81 : vector<64x1024xf32>
    %slice3A_83 = vector.extract_strided_slice %max3A_61 {offsets = [704, 0], sizes = [64, 1024], strides = [1, 1]} : vector<768x1024xf32> to vector<64x1024xf32>
    %max3A_84 = arith.maximumf %max3A_82, %slice3A_83 : vector<64x1024xf32>
    %swap3A_85 = arith.constant 0 : index
    %swap3A_86 = arith.constant 0 : index
    %swap3A_87 = vector.load %arg9[%swap3A_85, %swap3A_86] : memref<64x1024xf32, #tpu.memory_space<vmem>>, vector<64x1024xf32>
    tpu.vector_store %arg9[%swap3A_85, %swap3A_86], %max3A_84 {strides = array<i32>} : memref<64x1024xf32, #tpu.memory_space<vmem>>, vector<64x1024xf32>,
    return
  }
}

</mosaic_0001>

<sc_bundles>
// kernel: kernel.5.cloned.1.call-start
scs
__scs_entry_jumppad:
0x0: {  	(pc) =	sbr.rel $0x88, $3  }
0x1: {  	(tag) =	ssettag $0x0;
	lr =	simm.s32 $0x1  }
0x2: {  	[smem:$0x3F91] =	sst lr;
	_ =	strace $0xD0000000  }
0x3: {  	_ = 	snop  }
0x4: {  	_ = 	snop  }
0x5: {  	_ = 	snop  }
0x6: {  	_ = 	snop  }
0x7: {  	_ = 	snop  }
__scs_overlays_trampoline_lowered:
0x8: {  	[smem:$0x3FA0] =	sst s0  }
0x9: {  	[smem:$0x3FA1] =	sst s1  }
0xa: {  	[smem:$0x3FA2] =	sst s2  }
0xb: {  	[smem:$0x3FA3] =	sst s3  }
0xc: {  	[smem:$0x3FA4] =	sst s4  }
0xd: {  	[smem:$0x3FA5] =	sst s5  }
0xe: {  	[smem:$0x3FA6] =	sst s6  }
0xf: {  	[smem:$0x3FA7] =	sst s7  }
0x10: {  	[smem:$0x3FA8] =	sst s8  }
0x11: {  	[smem:$0x3FA9] =	sst s9;
	s0 =	simm.s32 @!p0 $0x0  }
0x12: {  	s1 =	sld [smem:$0x3F8F];
	s0 =	simm.s32 @p0 $0x1  }
0x13: {  	[smem:$0x3FAA] =	sst s0;
	s0 =	simm.s32 @!p1 $0x0  }
0x14: {  	s2 =	sld [smem:$0x3F8E];
	s0 =	simm.s32 @p1 $0x1  }
0x15: {  	[smem:$0x3FAB] =	sst s0;
	s0 =	simm.s32 @!p2 $0x0  }
0x16: {  	s3 =	sld [smem:$0x3FDB];
	s0 =	simm.s32 @p2 $0x1  }
0x17: {  	s4 =	simm.s32 $0x1BF5;
	[smem:$0x3FAD] =	sst s0  }
0x18: {  	s0 =	sld [smem:$0x3F90];
	_ =	swait.ge [sflag:s4], $0x0  }
0x19: {  	s7 =	sld [smem:$0x3F91]  }
0x1a: {  	s8 =	sadd.s32 $0xFFFFE003, lr  }
0x1b: {  	s9 =	sadd.s32 $0xFFFFFEF7, lr;
	s5 =	simm.s32 $0xFFFFFFFF;
	p2 =	slt.u32 s8, $0xFFFFF086  }
0x1c: {  	p1 =	slt.u32 s9, $0xF7A;
	s5 =	simm.s32 @!p2 $0x0  }
0x1d: {  	s5 =	simm.s32 @p1 $0x1;
	p0 =	seq.s32 s7, s2  }
0x1e: {  	s7 =	smul.u32 @!p0 $0xF7A, s2;
	p2 =	seq.s32 @!p0 s5, $0x0  }
0x1f: {  	s9 =	smul.u32 $0xF7A, s1;
	s8 =	simm.s32 @!p0 $0x1BF5;
	p2 =	por !p2, p0  }
0x20: {  	[sflag:s8] =	ssyncset.s32 @!p0 $0xFFFFF086;
	s6 =	sadd.s32 @!p0 s3, s7;
	s7 =	simm.s32 @!p0 $0x108  }
0x21: {  	s3 =	sadd.s32 s3, s9;
	s6 =	sadd.s32 @!p0 $0x88, s6;
	s7 =	simm.s32 @p2 $0x1082  }
0x22: {  	[simem:s7], [sflag:s8] =	dma.local @!p0 [hbm:s6], $0xF7A  }
0x23: {  	s9 =	sor.u32 $0xD0000000, s2;
	s6 =	simm.s32 $0x108;
	_ =	swait.ge @!p0 [sflag:s8], $0x0  }
0x24: {  	s3 =	sadd.s32 $0x88, s3;
	s6 =	simm.s32 @!p1 $0x1082;
	[sflag:s4] =	ssyncset.s32 $0xFFFFF086  }
0x25: {  	[simem:s6], [sflag:s4] =	dma.local [hbm:s3], $0xF7A  }
0x26: {  	[smem:$0x3F91] =	sst s1;
	(tag) =	ssettag s2;
	_ =	strace s9  }
0x27: {  	s1 =	sld [smem:$0x3FA1]  }
0x28: {  	s2 =	sld [smem:$0x3FA2]  }
0x29: {  	s4 =	sld [smem:$0x3FA4]  }
0x2a: {  	p0 =	seq.s32 s5, $0x0;
	s5 =	sld [smem:$0x3FA5]  }
0x2b: {  	s6 =	sld [smem:$0x3FA6]  }
0x2c: {  	s7 =	sld [smem:$0x3FA7]  }
0x2d: {  	s3 =	simm.s32 $0x108;
	s8 =	sld [smem:$0x3FA8]  }
0x2e: {  	s3 =	simm.s32 @!p0 $0x1082;
	s9 =	sld [smem:$0x3FA9]  }
0x2f: {  	lr =	sadd.s32 s0, s3;
	s0 =	sld [smem:$0x3FA0]  }
0x30: {  	s3 =	sld [smem:$0x3FA3]  }
0x31: {  	[smem:$0x3FAC] =	sst s10  }
0x32: {  	s10 =	sld [smem:$0x3FAA];
	_ =	sdelay $0x3  }
0x33: {  	p0 =	seq.s32 s10, $0x1;
	s10 =	sld [smem:$0x3FAC];
	_ =	sdelay $0x3  }
0x34: {  	[smem:$0x3FAC] =	sst s10  }
0x35: {  	s10 =	sld [smem:$0x3FAB];
	_ =	sdelay $0x3  }
0x36: {  	p1 =	seq.s32 s10, $0x1;
	s10 =	sld [smem:$0x3FAC];
	_ =	sdelay $0x3  }
0x37: {  	[smem:$0x3FAC] =	sst s10  }
0x38: {  	s10 =	sld [smem:$0x3FAD]  }
0x39: {  	_ = 	snop;
	(pc) =	sbr.ind lr, $3  }
0x3a: {  	_ = 	snop  }
0x3b: {  	_ = 	snop  }
0x3c: {  	p2 =	seq.s32 s10, $0x1;
	s10 =	sld [smem:$0x3FAC]  }
0x3d: {  	_ =	shalt  }
0x3e: {  	_ =	shalt  }
0x3f: {  	_ =	shalt  }
0x40: {  	_ =	shalt  }
0x41: {  	_ =	shalt  }
0x42: {  	_ =	shalt  }
0x43: {  	_ =	shalt  }
0x44: {  	_ =	shalt  }
0x45: {  	_ =	shalt  }
0x46: {  	_ =	shalt  }
0x47: {  	_ =	shalt  }
0x48: {  	_ =	shalt  }
0x49: {  	_ =	shalt  }
0x4a: {  	_ =	shalt  }
0x4b: {  	_ =	shalt  }
0x4c: {  	_ =	shalt  }
0x4d: {  	_ =	shalt  }
0x4e: {  	_ =	shalt  }
0x4f: {  	_ =	shalt  }
0x50: {  	_ =	shalt  }
0x51: {  	_ =	shalt  }
0x52: {  	_ =	shalt  }
0x53: {  	_ =	shalt  }
0x54: {  	_ =	shalt  }
0x55: {  	_ =	shalt  }
0x56: {  	_ =	shalt  }
0x57: {  	_ =	shalt  }
0x58: {  	_ =	shalt  }
0x59: {  	_ =	shalt  }
0x5a: {  	_ =	shalt  }
0x5b: {  	_ =	shalt  }
0x5c: {  	_ =	shalt  }
0x5d: {  	_ =	shalt  }
0x5e: {  	_ =	shalt  }
0x5f: {  	_ =	shalt  }
0x60: {  	_ =	shalt  }
0x61: {  	_ =	shalt  }
0x62: {  	_ =	shalt  }
0x63: {  	_ =	shalt  }
0x64: {  	_ =	shalt  }
0x65: {  	_ =	shalt  }
0x66: {  	_ =	shalt  }
0x67: {  	_ =	shalt  }
0x68: {  	_ =	shalt  }
0x69: {  	_ =	shalt  }
0x6a: {  	_ =	shalt  }
0x6b: {  	_ =	shalt  }
0x6c: {  	_ =	shalt  }
0x6d: {  	_ =	shalt  }
0x6e: {  	_ =	shalt  }
0x6f: {  	_ =	shalt  }
0x70: {  	_ =	shalt  }
0x71: {  	_ =	shalt  }
0x72: {  	_ =	shalt  }
0x73: {  	_ =	shalt  }
0x74: {  	_ =	shalt  }
0x75: {  	_ =	shalt  }
0x76: {  	_ =	shalt  }
0x77: {  	_ =	shalt  }
0x78: {  	_ =	shalt  }
0x79: {  	_ =	shalt  }
0x7a: {  	_ =	shalt  }
0x7b: {  	_ =	shalt  }
0x7c: {  	_ =	shalt  }
0x7d: {  	_ =	shalt  }
0x7e: {  	_ =	shalt  }
0x7f: {  	_ =	shalt  }
0x80: {  	_ =	shalt  }
0x81: {  	_ =	shalt  }
0x82: {  	_ =	shalt  }
0x83: {  	_ =	shalt  }
0x84: {  	_ =	shalt  }
0x85: {  	_ =	shalt  }
0x86: {  	_ =	shalt  }
0x87: {  	_ =	shalt  }
.Lfunc_end0:
.L_simem_size_0:
called_computation_lowered:
.L_overlay_start_0:
0x88: {  	s2 =	sld [smem:$0x3FD9]  }
0x89: {  	s3 =	sld [smem:$0x3FFE];
	_ =	sdelay $0x1  }
0x8a: {  	s1 =	srdreg.scid  }
0x8b: {  	s0 =	sand.u32 $0x1, s1  }
0x8c: {  	s14 =	sshll.u32 s0, $0xA;
	s2 =	sadd.s32 s3, s2  }
0x8d: {  	s2 =	sadd.s32 s2, s14  }
0x8e: {  	[smem:$0x3FB8] =	sst s2  }
0x8f: {  	_ = 	snop  }
0x90: {  	s2 =	sld [smem:$0x3FD0];
	_ =	sdelay $0x1  }
0x91: {  	s15 =	sld [smem:$0x3FC9]  }
0x92: {  	s5 =	simm.s32 $0xA;
	s6 =	simm.s32 $0x10;
	s4 =	sld [smem:$0x3FC7]  }
0x93: {  	[smem:s6], [sflag:s5] =	dma.local [hbm:s2], $0x1  }
0x94: {  	_ =	swait.eq [sflag:s5], $0x1  }
0x95: {  	[sflag:s5] =	ssyncset.done $0x0  }
0x96: {  	s16 =	sld [smem:$0x10];
	[sflag:s5] =	ssyncadd.s32 $0xFFFFFFFF  }
0x97: {  	s17 =	sld [smem:$0x11];
	(tm) =	ssettm $0x1  }
0x98: {  	s18 =	sld [smem:$0x3FFB];
	_ =	sdelay $0x3  }
0x99: {  	_ =	strace s18  }
0x9a: {  	s6 =	sld [smem:$0x3FFC];
	_ =	sdelay $0x3  }
0x9b: {  	_ =	strace s6  }
0x9c: {  	s6 =	sld [smem:$0x3FFD];
	_ =	sdelay $0x3  }
0x9d: {  	_ =	strace s6  }
0x9e: {  	_ =	strace $0x8FFFFFFF  }
0x9f: {  	s19 =	sld [smem:$0x3FDB];
	_ =	sdelay $0x1  }
0xa0: {  	s7 =	simm.s32 $_scs_section_size  }
0xa1: {  	s8 =	simm.s32 $_size__tile_overlayer_lowered;
	s9 =	simm.s32 $_tile_overlayer_lowered  }
0xa2: {  	s22 =	simm.s32 $0x1BFF;
	s21 =	sshll.u32 s9, $0x1;
	s6 =	sadd.s32 s7, s19  }
0xa3: {  	s10 =	simm.s32 $0x0;
	s20 =	sshll.u32 s8, $0x1;
	s8 =	sadd.s32 s21, s6  }
0xa4: {  	[timem:s10], [sflag:s22] =	dma.local [hbm:s8], s20  }
0xa5: {  	_ =	swait.ge [sflag:s22], s20  }
0xa6: {  	s7 =	ssub.s32 $0x0, s20;
	[sflag:s22] =	ssyncset.done $0x0  }
0xa7: {  	[sflag:s22] =	ssyncadd.s32 s7;
	_ =	sdelay $0x1  }
0xa8: {  	s23 =	simm.s32 $0x1B8B  }
0xa9: {  	_ =	swait.ge [sflag:s23], $0x1  }
0xaa: {  	[sflag:s23] =	ssyncset.done $0x0  }
0xab: {  	s25 =	simm.s32 $0x1B8E;
	s24 =	sld [smem:$0x3FFE];
	[sflag:s23] =	ssyncadd.s32 $0xFFFFFFFF  }
0xac: {  	s26 =	simm.s32 $execute0_lowered;
	[smem:$0x3FD2] =	sst s25  }
0xad: {  	s8 =	sshll.u32 s26, $0x1;
	_ =	strace $0x80000046;
	[dreg:$0x1] =	wrdreg $0xFFFFFFFF  }
0xae: {  	s28 =	simm.s32 $_size_execute0_lowered;
	s6 =	sadd.s32 s6, s8;
	[dreg:$0x0] =	wrdreg $0x0  }
0xaf: {  	s8 =	sshll.u32 s28, $0x1;
	[dreg:$0x2] =	wrdreg s6  }
0xb0: {  	[dreg:$0x3] =	wrdreg s8  }
0xb1: {  	[dreg:$0x4] =	wrdreg $0xC0  }
0xb2: {  	_ =	task [dreg:s10], $0x5FFFF  }
0xb3: {  	[dreg:$0x1] =	wrdreg $0xFFFFFFFF  }
0xb4: {  	[dreg:$0x0] =	wrdreg $0x60  }
0xb5: {  	[dreg:$0x2] =	wrdreg s4  }
0xb6: {  	[dreg:$0x3] =	wrdreg s15  }
0xb7: {  	[dreg:$0x4] =	wrdreg s16  }
0xb8: {  	[dreg:$0x5] =	wrdreg s17  }
0xb9: {  	[dreg:$0x6] =	wrdreg s24  }
0xba: {  	[dreg:$0x7] =	wrdreg $0x9  }
0xbb: {  	_ =	task.clear_ibuf [dreg:s10], $0x8FFFF;
	_ =	strace $0x90000046  }
0xbc: {  	s29 =	simm.s32 $0x9;
	_ =	strace $0x80000048  }
0xbd: {  	_ =	swait.ge [sflag:s29], $0x1  }
0xbe: {  	[sflag:s29] =	ssyncadd.s32 $0xFFFFFFFF  }
0xbf: {  	_ =	strace $0x90000048  }
0xc0: {  	_ =	sfence  }
0xc1: {  	s30 =	sld [smem:$0x0];
	_ =	sdelay $0x2  }
0xc2: {  	s31 =	sshll.u32 s1, $0xD;
	s1 =	sshrl.u32 s1, $0x2  }
0xc3: {  	s3 =	sand.u32 $0x4000, s31;
	s1 =	sadd.s32 s1, s30  }
0xc4: {  	s0 =	sor.u32 s3, s0;
	s1 =	sshll.u32 s1, $0x11  }
0xc5: {  	s0 =	sor.u32 s1, s0  }
0xc6: {  	s0 =	sadd.s32 $0x8F2B, s0  }
0xc7: {  	[sflag:s0] =	ssyncadd.remote.s32 $0x1  }
0xc8: {  	_ =	sfence.sel $0xFFFF  }
0xc9: {  	[dreg:$0x0] =	wrdreg $0xFFFFFFFF;
	(pc) =	sbr.abs _section_cstart, $3  }
0xca: {  	[dreg:$0x1] =	wrdreg $0xFFFFFFFF  }
0xcb: {  	_ =	task.clear_ibuf [dreg:s10], $0x2FFFF;
	_ =	strace $0x9FFFFFFF  }
0xcc: {  	(tm) =	ssettm $0x7FFFFFFF  }
0xcd: {  	_ =	shalt  }
tec
execute0_lowered:
.L_overlay_start_1:
0x0: {  	(tag) =	ssettag $0x1  }
0x1: {  	s1 =	rddreg [dreg:$0x0]  }
0x2: {  	s2 =	rddreg [dreg:$0x1]  }
0x3: {  	s5 =	rddreg [dreg:$0x2]  }
0x4: {  	s3 =	srdreg.scid;
	s7 =	rddreg [dreg:$0x3]  }
0x5: {  	s0 =	stileid.u32;
	s9 =	rddreg [dreg:$0x4]  }
0x6: {  	s4 =	simm.s32 $0x0;
	s13 =	simm.s32 $0x6080;
	s14 =	simm.s32 $0x80  }
0x7: {  	s15 =	simm.s32 $0x880;
	s16 =	simm.s32 $0x1080;
	s17 =	simm.s32 $0x1880  }
0x8: {  	s18 =	simm.s32 $0x2080;
	s19 =	simm.s32 $0x2880;
	s20 =	simm.s32 $0x3080  }
0x9: {  	s21 =	simm.s32 $0x3880;
	s22 =	simm.s32 $0x4080;
	s23 =	simm.s32 $0x4880  }
0xa: {  	s24 =	simm.s32 $0x5080;
	s6 =	sand.u32 $0x1, s3;
	s26 =	sshll.u32 s0, $0x1  }
0xb: {  	s25 =	simm.s32 $0x5880;
	s28 =	simm.s32 $0x6900;
	s8 =	sor.u32 s6, s26  }
0xc: {  	s29 =	simm.s32 $0x7100;
	s30 =	simm.s32 $0x1;
	s10 =	smul.u32 $0xC00, s8  }
0xd: {  	s31 =	simm.s32 $0x2;
	s6 =	ssub.s32 $0x2, s6;
	s11 =	smul.u32 $0x300, s8  }
0xe: {  	[smem:$0x7FF] =	sst s4;
	s8 =	smul.u32 $0x3, s8;
	s12 =	sshrl.u32 s6, $0x1  }
0xf: {  	_ =	strace $0x80000047;
	s26 =	simm.s32 $0x6100;
	s12 =	ssub.s32 s6, s12  }
0x10: {  	s6 =	sadd.s32 $0x100, s1;
	s10 =	sadd.s32 s10, s9;
	s5 =	sadd.s32 s5, s8  }
0x11: {  	v2 =	vlaneseq.u32;
	s11 =	sadd.s32 s11, s9;
	[dreg:$0x6] =	wrdreg s5;
	s5 =	sadd.s32 s7, s8  }
0x12: {  	vm0 =	vmmov $0xffff;
	v1 =	vshrl.u32 v2, $0x3;
	s7 =	sadd.s32 $0x200, s1;
	s8 =	sadd.s32 $0x300, s1;
	s9 =	sadd.s32 $0x2C00, s10  }
0x13: {  	v0 =	vand.u32 $0x7, v2;
	v2 =	vor.u32 $0x8, v2;
	v1 =	vmul.u32 $0x8, v1;
	s10 =	sadd.s32 $0x1AC00, s11;
	s11 =	smax.u32 s12, $0x1;
	s12 =	simm.s32 $0x3  }
.LBB2_1:
0x14: {  	s3 =	rddreg [dreg:$0x6]  }
0x15: {  	[tilespmem:s4], [sflag:$0x3] =	stream.linear.gather [hbm4b:s3+s4], $0x18, $0x38;
	[tilespmem:$0x7900] =	vst v63  }
0x16: {  	_ =	swait.ge [sflag:s12], $0x18  }
0x17: {  	[sflag:s12] =	ssyncset.done $0x0  }
0x18: {  	[sflag:s12] =	ssyncadd.s32 $0xFFFFFFE8  }
0x19: {  	[tilespmem:s13], [sflag:$0x3] =	stream.linear.gather [hbm4b:s5+s4], $0x18, $0x38;
	[tilespmem:$0x7900] =	vst v63  }
0x1a: {  	_ =	swait.ge [sflag:s12], $0x18  }
0x1b: {  	[sflag:s12] =	ssyncset.done $0x0  }
0x1c: {  	[sflag:s12] =	ssyncadd.s32 $0xFFFFFFE8  }
0x1d: {  	v3 =	vld [tilespmem:$0x0];
	_ =	sdelay $0x4  }
0x1e: {  	v4 =	vshll.u32 v3, $0x3  }
0x1f: {  	v3 =	vand.u32 $0x7, v3;
	v4 =	vand.u32 $0xFFFFFFC0, v4  }
0x20: {  	v3 =	vor.u32 v3, v4  }
0x21: {  	v4 =	vperm.xlane v3, v0;
	_ =	sdelay $0x1  }
0x22: {  	v4 =	vadd.s32 v1, v4;
	_ =	sdelay $0x4  }
0x23: {  	[tilespmem:s14], [sflag:$0x1] =	stream.indirect_vreg.gather [hbm4b:s1+s4], $0x80, v4, vm0, $0xb8;
	[tilespmem:$0x7900] =	vst v63  }
0x24: {  	v3 =	vperm.xlane v3, v2  }
0x25: {  	[tilespmem:s15], [sflag:$0x1] =	stream.indirect_vreg.gather [hbm4b:s6+s4], $0x80, v4, vm0, $0xb8;
	[tilespmem:$0x7900] =	vst v63  }
0x26: {  	v3 =	vadd.s32 v1, v3  }
0x27: {  	[tilespmem:s16], [sflag:$0x1] =	stream.indirect_vreg.gather [hbm4b:s7+s4], $0x80, v4, vm0, $0xb8;
	[tilespmem:$0x7900] =	vst v63  }
0x28: {  	_ = 	snop  }
0x29: {  	[tilespmem:s17], [sflag:$0x1] =	stream.indirect_vreg.gather [hbm4b:s8+s4], $0x80, v4, vm0, $0xb8;
	[tilespmem:$0x7900] =	vst v63  }
0x2a: {  	_ = 	snop  }
0x2b: {  	[tilespmem:s18], [sflag:$0x1] =	stream.indirect_vreg.gather [hbm4b:s1+s4], $0x80, v3, vm0, $0xb8;
	[tilespmem:$0x7900] =	vst v63  }
0x2c: {  	_ = 	snop  }
0x2d: {  	[tilespmem:s19], [sflag:$0x1] =	stream.indirect_vreg.gather [hbm4b:s6+s4], $0x80, v3, vm0, $0xb8;
	[tilespmem:$0x7900] =	vst v63  }
0x2e: {  	_ = 	snop  }
0x2f: {  	[tilespmem:s20], [sflag:$0x1] =	stream.indirect_vreg.gather [hbm4b:s7+s4], $0x80, v3, vm0, $0xb8;
	[tilespmem:$0x7900] =	vst v63  }
0x30: {  	_ = 	snop  }
0x31: {  	[tilespmem:s21], [sflag:$0x1] =	stream.indirect_vreg.gather [hbm4b:s8+s4], $0x80, v3, vm0, $0xb8;
	[tilespmem:$0x7900] =	vst v63  }
0x32: {  	v3 =	vld.msk [tilespmem:$0x10], $0xff;
	_ =	sdelay $0x4  }
0x33: {  	v61 =	vshll.u32 v3, $0x3  }
0x34: {  	v3 =	vand.u32 $0x7, v3;
	v4 =	vand.u32 $0xFFFFFFC0, v61  }
0x35: {  	v3 =	vor.u32 v3, v4  }
0x36: {  	v3 =	vperm.xlane v3, v0;
	_ =	sdelay $0x1  }
0x37: {  	v3 =	vadd.s32 v1, v3;
	_ =	sdelay $0x4  }
0x38: {  	[tilespmem:s22], [sflag:$0x1] =	stream.indirect_vreg.gather [hbm4b:s1+s4], $0x80, v3, vm0, $0xb8;
	[tilespmem:$0x7900] =	vst v63  }
0x39: {  	_ = 	snop  }
0x3a: {  	[tilespmem:s23], [sflag:$0x1] =	stream.indirect_vreg.gather [hbm4b:s6+s4], $0x80, v3, vm0, $0xb8;
	[tilespmem:$0x7900] =	vst v63  }
0x3b: {  	_ = 	snop  }
0x3c: {  	[tilespmem:s24], [sflag:$0x1] =	stream.indirect_vreg.gather [hbm4b:s7+s4], $0x80, v3, vm0, $0xb8;
	[tilespmem:$0x7900] =	vst v63  }
0x3d: {  	_ = 	snop  }
0x3e: {  	[tilespmem:s25], [sflag:$0x1] =	stream.indirect_vreg.gather [hbm4b:s8+s4], $0x80, v3, vm0, $0xb8;
	[tilespmem:$0x7900] =	vst v63  }
0x3f: {  	v3 =	vld [tilespmem:$0x6080];
	_ =	sdelay $0x4  }
0x40: {  	v62 =	vshll.u32 v3, $0x1  }
0x41: {  	v3 =	vand.u32 $0x7, v3;
	v4 =	vand.u32 $0xFFFFFFF0, v62  }
0x42: {  	v3 =	vor.u32 v3, v4  }
0x43: {  	v4 =	vperm.xlane v3, v0;
	_ =	sdelay $0x1  }
0x44: {  	v3 =	vperm.xlane v3, v2;
	v4 =	vadd.s32 v1, v4;
	_ =	sdelay $0x1  }
0x45: {  	v3 =	vadd.s32 v1, v3;
	_ =	sdelay $0x2  }
0x46: {  	[tilespmem:s26], [sflag:$0x2] =	stream.indirect_vreg.gather [hbm4b:s2+s4], $0x80, v4, vm0, $0xb8;
	[tilespmem:$0x7900] =	vst v63  }
0x47: {  	_ = 	snop  }
0x48: {  	[tilespmem:s28], [sflag:$0x2] =	stream.indirect_vreg.gather [hbm4b:s2+s4], $0x80, v3, vm0, $0xb8;
	[tilespmem:$0x7900] =	vst v63  }
0x49: {  	v3 =	vld.msk [tilespmem:$0x6090], $0xff;
	_ =	sdelay $0x4  }
0x4a: {  	v63 =	vshll.u32 v3, $0x1  }
0x4b: {  	v3 =	vand.u32 $0x7, v3;
	v4 =	vand.u32 $0xFFFFFFF0, v63  }
0x4c: {  	v3 =	vor.u32 v3, v4  }
0x4d: {  	v3 =	vperm.xlane v3, v0;
	_ =	sdelay $0x1  }
0x4e: {  	v3 =	vadd.s32 v1, v3;
	_ =	sdelay $0x4  }
0x4f: {  	[tilespmem:s29], [sflag:$0x2] =	stream.indirect_vreg.gather [hbm4b:s2+s4], $0x80, v3, vm0, $0xb8;
	[tilespmem:$0x7900] =	vst v63  }
0x50: {  	_ =	swait.ge [sflag:s30], $0x6000  }
0x51: {  	[sflag:s30] =	ssyncset.done $0x0  }
0x52: {  	[sflag:s30] =	ssyncadd.s32 $0xFFFFA000  }
0x53: {  	_ =	swait.ge [sflag:s31], $0x1800  }
0x54: {  	[sflag:s31] =	ssyncset.done $0x0  }
0x55: {  	[sflag:s31] =	ssyncadd.s32 $0xFFFFE800  }
0x56: {  	[hbm4b:s9+s4] =	stream.linear.scatter [tilespmem:s14], [sflag:$0x3], $0x6000, $0x38;
	[tilespmem:$0x7900] =	vst v63  }
0x57: {  	_ =	swait.ge [sflag:s12], $0x6000  }
0x58: {  	p0 =	sne.s32 s11, $0x1;
	[sflag:s12] =	ssyncset.done $0x0  }
.Ltmp0:
0x59: {  	[sflag:s12] =	ssyncadd.s32 $0xFFFFA000;
	(pc) =	sbr.rel @p0 .LBB2_1-.Ltmp0, $4  }
0x5a: {  	[hbm4b:s10+s4] =	stream.linear.scatter [tilespmem:s26], [sflag:$0x3], $0x1800, $0x38;
	[tilespmem:$0x7900] =	vst v63  }
0x5b: {  	_ =	swait.ge [sflag:s12], $0x1800  }
0x5c: {  	[sflag:s12] =	ssyncset.done $0x0  }
0x5d: {  	s11 =	sadd.s32 $0xFFFFFFFF, s11;
	[sflag:s12] =	ssyncadd.s32 $0xFFFFE800  }
0x5e: {  	_ =	sfence.sel $0x180000  }
0x5f: {  	[bflag:$0x0] =	sbarrier.arrive $0xFFFF  }
0x60: {  	_ =	strace $0x90000047  }
0x61: {  	[bflag:$0x2] =	sbarrier.arrive $0xFFFF  }
0x62: {  	p0 =	sne.s32 s0, $0x0;
	s0 =	rddreg [dreg:$0x5]  }
0x63: {  	s0 =	sadd.s32 @!p0 $0x100000, s0  }
0x64: {  	[sflag:s0] =	ssyncadd.tile.s32 @!p0 $0x1;
	_ =	shalt  }
.Lfunc_end2:
_tile_overlayer_lowered:
.L_overlay_start_2:
0x65: {  	(tag) =	ssettag $0x2  }
0x66: {  	s0 =	rddreg [dreg:$0x0];
	s2 =	stileid.u32  }
0x67: {  	s1 =	rddreg [dreg:$0x1];
	p0 =	sne.s32 s2, $0x0  }
0x68: {  	s3 =	rddreg [dreg:$0x2];
	[bflag:$0x3] =	sbarrier.arrive $0xFFFF;
	s2 =	simm.s32 @!p0 $0x1C03  }
0x69: {  	[timem:s3], [sflag:s2] =	dma.local @!p0 [hbm:s0], s1  }
0x6a: {  	s0 =	simm.s32 @!p0 $0x3  }
0x6b: {  	_ =	swait.ge @!p0 [sflag:s0], s1  }
0x6c: {  	s1 =	ssub.s32 @!p0 $0x0, s1;
	[sflag:s0] =	ssyncset.done @!p0 $0x0  }
0x6d: {  	[sflag:s0] =	ssyncadd.s32 @!p0 s1  }
0x6e: {  	[bflag:$0x3] =	sbarrier.arrive $0xFFFF  }
0x6f: {  	_ =	shalt  }

</sc_bundles>
